<compile_context>
chip_gen: v7x
topology: tpu7x:2x2x1
jax: 0.10.2.dev20260603
libtpu: 0.0.44.dev20260713+nightly
codegen_flags: <defaults>
</compile_context>

<pallas_src>
import dataclasses
import functools

import jax
import jax.numpy as jnp
from jax import lax
from jax.experimental import pallas as pl
from jax.experimental.pallas import tpu as pltpu
from jax.experimental.pallas import tpu_sc as plsc

N_NODES = 10000
N_EDGES = 320000
D = 128

NW = 32
G = 128
NPAD = 10240
E_PAD = 327680
EPT = E_PAD // NW
RPT = NPAD // 16
NBLK = NPAD // 128

_mesh = plsc.VectorSubcoreMesh(core_axis_name="c", subcore_axis_name="s")

_sc_params = pltpu.CompilerParams()
if "needs_layout_passes" in pltpu.CompilerParams.__dataclass_fields__:
    _sc_params = dataclasses.replace(_sc_params, needs_layout_passes=False)


@functools.partial(
    pl.kernel,
    out_type=jax.ShapeDtypeStruct((NW, NPAD), jnp.float32),
    mesh=_mesh,
    scratch_types=[
        pltpu.VMEM((EPT // G, G), jnp.int32),
        pltpu.VMEM((NPAD,), jnp.float32),
    ],
    compiler_params=_sc_params,
)
def _hist(dst_hbm, hist_hbm, dst_v, hist_v):
    cid = lax.axis_index("c")
    sid = lax.axis_index("s")
    wid = sid * 2 + cid
    pltpu.sync_copy(dst_hbm.at[wid], dst_v)

    zeros = jnp.zeros((16,), jnp.float32)

    @pl.loop(0, NPAD, step=16)
    def _(i):
        hist_v[pl.ds(i, 16)] = zeros

    ones = jnp.ones((16,), jnp.float32)

    @pl.loop(0, EPT // G)
    def _(ch):
        @pl.loop(0, G, step=16)
        def _(j):
            idx = dst_v[ch, pl.ds(j, 16)]
            plsc.addupdate_scatter(hist_v, [idx], ones)

    pltpu.sync_copy(hist_v, hist_hbm.at[wid])


NBUF = 4
GA = 64
NCH = EPT // GA
WIN = NCH // 4


@functools.partial(
    pl.kernel,
    out_type=jax.ShapeDtypeStruct((2, NPAD, D), jnp.float32),
    mesh=_mesh,
    scratch_types=[
        pltpu.VMEM((WIN, GA), jnp.int32),
        pltpu.VMEM((WIN, GA), jnp.int32),
        pltpu.VMEM((GA, D), jnp.float32),
        pltpu.VMEM((GA, D), jnp.float32),
        pltpu.VMEM((GA, D), jnp.float32),
        pltpu.VMEM((GA, D), jnp.float32),
        pltpu.VMEM_SHARED((NPAD, D), jnp.float32),
        pltpu.SemaphoreType.DMA((NBUF,)),
        pltpu.SemaphoreType.DMA((NBUF,)),
    ],
    compiler_params=_sc_params,
)
def _agg(g_hbm, src_hbm, dst_hbm, out_hbm, src_v, dst_v, r0, r1, r2, r3,
         acc_sh, gsem, ssem):
    rows = (r0, r1, r2, r3)
    cid = lax.axis_index("c")
    sid = lax.axis_index("s")
    wid = sid * 2 + cid

    zeros = jnp.zeros((16,), jnp.float32)

    @pl.loop(0, GA)
    def _(r):
        @pl.loop(0, D, step=16)
        def _(j):
            rows[0][r, pl.ds(j, 16)] = zeros

    @pl.loop(0, RPT, step=GA)
    def _(r):
        pltpu.sync_copy(rows[0], acc_sh.at[pl.ds(sid * RPT + r, GA)])

    plsc.subcore_barrier()

    def issue_gather(c, b):
        pltpu.async_copy(g_hbm.at[src_v.at[c]], rows[b], gsem.at[b])

    def wait_gather(c, b):
        pltpu.make_async_copy(g_hbm.at[src_v.at[c]], rows[b],
                              gsem.at[b]).wait()

    @pl.loop(0, 4)
    def _(h):
        pltpu.sync_copy(src_hbm.at[wid].at[pl.ds(h * WIN, WIN)], src_v)
        pltpu.sync_copy(dst_hbm.at[wid].at[pl.ds(h * WIN, WIN)], dst_v)

        @pl.loop(0, WIN, step=NBUF)
        def _(c0):
            for b in range(NBUF):
                issue_gather(c0 + b, b)
            for b in range(NBUF):
                wait_gather(c0 + b, b)
                pltpu.async_copy(rows[b], acc_sh.at[dst_v.at[c0 + b]],
                                 ssem.at[b], add=True)
            for b in range(NBUF):
                pltpu.make_async_copy(rows[b], acc_sh.at[dst_v.at[c0 + b]],
                                      ssem.at[b]).wait()

    plsc.subcore_barrier()

    pltpu.sync_copy(
        acc_sh.at[pl.ds(sid * RPT, RPT)],
        out_hbm.at[cid].at[pl.ds(sid * RPT, RPT)],
    )


def _dinv_col(hist_blk):
    ones = jnp.ones((NW, 1), jnp.float32)
    deg = 1.0 + lax.dot_general(
        hist_blk, ones, (((0,), (0,)), ((), ())),
        preferred_element_type=jnp.float32,
    )
    return lax.rsqrt(deg)


def _tc1_body(hist_ref, x_ref, w_ref, g_ref):
    dinv = _dinv_col(hist_ref[...])
    h = jnp.dot(x_ref[...], w_ref[...], preferred_element_type=jnp.float32)
    g_ref[...] = dinv * h


def _tc2_body(hist_ref, a_ref, g1_ref, b_ref, w_ref, g2_ref):
    dinv = _dinv_col(hist_ref[...])
    agg = a_ref[0] + a_ref[1] + g1_ref[...]
    z = jnp.maximum(dinv * agg + b_ref[...], 0.0)
    g2_ref[...] = dinv * jnp.dot(
        z, w_ref[...], preferred_element_type=jnp.float32
    )


def _tc3_body(hist_ref, a_ref, g2_ref, b_ref, o_ref):
    dinv = _dinv_col(hist_ref[...])
    agg = a_ref[0] + a_ref[1] + g2_ref[...]
    o_ref[...] = jax.nn.sigmoid(dinv * agg + b_ref[...])


def _tc1(hist, x_pad, W1):
    return pl.pallas_call(
        _tc1_body,
        grid=(NBLK,),
        in_specs=[
            pl.BlockSpec((NW, 128), lambda i: (0, i)),
            pl.BlockSpec((128, D), lambda i: (i, 0)),
            pl.BlockSpec((D, D), lambda i: (0, 0)),
        ],
        out_specs=pl.BlockSpec((128, D), lambda i: (i, 0)),
        out_shape=jax.ShapeDtypeStruct((NPAD, D), jnp.float32),
    )(hist, x_pad, W1)


def _tc2(hist, agg1, g1, b1, W2):
    return pl.pallas_call(
        _tc2_body,
        grid=(NBLK,),
        in_specs=[
            pl.BlockSpec((NW, 128), lambda i: (0, i)),
            pl.BlockSpec((2, 128, D), lambda i: (0, i, 0)),
            pl.BlockSpec((128, D), lambda i: (i, 0)),
            pl.BlockSpec((1, D), lambda i: (0, 0)),
            pl.BlockSpec((D, D), lambda i: (0, 0)),
        ],
        out_specs=pl.BlockSpec((128, D), lambda i: (i, 0)),
        out_shape=jax.ShapeDtypeStruct((NPAD, D), jnp.float32),
    )(hist, agg1, g1, b1, W2)


def _tc3(hist, agg2, g2, b2):
    return pl.pallas_call(
        _tc3_body,
        grid=(NBLK,),
        in_specs=[
            pl.BlockSpec((NW, 128), lambda i: (0, i)),
            pl.BlockSpec((2, 128, D), lambda i: (0, i, 0)),
            pl.BlockSpec((128, D), lambda i: (i, 0)),
            pl.BlockSpec((1, D), lambda i: (0, 0)),
        ],
        out_specs=pl.BlockSpec((128, D), lambda i: (i, 0)),
        out_shape=jax.ShapeDtypeStruct((NPAD, D), jnp.float32),
    )(hist, agg2, g2, b2)


@jax.jit
def kernel(x, edge_index, W1, b1, W2, b2):
    n = x.shape[0]
    src = edge_index[0].astype(jnp.int32)
    dst = edge_index[1].astype(jnp.int32)
    fill = jnp.full((E_PAD - src.shape[0],), n, jnp.int32)
    srcf = jnp.concatenate([src, fill])
    dstf = jnp.concatenate([dst, fill])
    srcp = srcf.reshape(NW, NCH, GA)
    dstp = dstf.reshape(NW, NCH, GA)
    dsth = dstf.reshape(NW, EPT // G, G)
    x_pad = jnp.pad(x, ((0, NPAD - n), (0, 0)))
    b1r = b1.reshape(1, D)
    b2r = b2.reshape(1, D)

    hist = _hist(dsth)
    g1 = _tc1(hist, x_pad, W1)
    agg1 = _agg(g1, srcp, dstp)
    g2 = _tc2(hist, agg1, g1, b1r, W2)
    agg2 = _agg(g2, srcp, dstp)
    out = _tc3(hist, agg2, g2, b2r)
    return out[:n]

# --- scband reference (transcript-rebuilt; emitter-appended) ---
"""Pipeline reference for scband-gcn-8435315770069 (READ-ONLY COPY).

The authoritative reference and input builder live on the scoring server;
editing this copy changes nothing except your own understanding.
"""

import jax, jax.numpy as jnp
import numpy as np

N_NODES = 10000
N_EDGES = 320000
D_IN = 128
D_HID = 128
D_OUT = 128

def setup_inputs(seed: int = 0) -> dict:
    key = jax.random.key(seed)
    k1, k2, k3, k4, k5, k6 = jax.random.split(key, 6)
    x = jax.random.normal(k1, (N_NODES, D_IN), dtype=jnp.float32)
    edge_index = jax.random.randint(k2, (2, N_EDGES), 0, N_NODES, dtype=jnp.int64)
    s1 = 1.0 / np.sqrt(D_IN)
    s2 = 1.0 / np.sqrt(D_HID)
    W1 = jax.random.uniform(k3, (D_IN, D_HID), jnp.float32, -s1, s1)
    b1 = jax.random.uniform(k4, (D_HID,), jnp.float32, -s1, s1)
    W2 = jax.random.uniform(k5, (D_HID, D_OUT), jnp.float32, -s2, s2)
    b2 = jax.random.uniform(k6, (D_OUT,), jnp.float32, -s2, s2)
    return {"x": x, "edge_index": edge_index, "W1": W1, "b1": b1, "W2": W2, "b2": b2}

def _gcn_conv(x, src, dst, W, b, n):
    # h = X W
    h = x @ W
    # symmetric normalization with self-loops already included in src/dst
    deg = jnp.zeros((n,), dtype=x.dtype).at[dst].add(1.0)
    dinv = jnp.where(deg > 0, jax.lax.rsqrt(deg), 0.0)
    norm = dinv[src] * dinv[dst]
    msg = h[src] * norm[:, None]
    out = jnp.zeros((n, h.shape[1]), dtype=x.dtype).at[dst].add(msg)
    return out + b

def reference(x, edge_index, W1, b1, W2, b2):
    n = x.shape[0]
    loops = jnp.arange(n, dtype=edge_index.dtype)
    src = jnp.concatenate([edge_index[0], loops])
    dst = jnp.concatenate([edge_index[1], loops])
    h = _gcn_conv(x, src, dst, W1, b1, n)
    h = jax.nn.relu(h)
    out = _gcn_conv(h, src, dst, W2, b2, n)
    return jax.nn.sigmoid(out)

if __name__ == "__main__":
    import jax
    _d = setup_inputs()
    print(jax.jit(kernel)(*tuple(_d.values())))

</pallas_src>

<mosaic_0001>
#map = affine_map<(d0, d1) -> (0, 0, 0)>
#map1 = affine_map<(d0, d1) -> (0, 0)>
module attributes {stable_mosaic.version = 14 : i64} {
  func.func @_hist(%arg0: i32, %arg1: i32, %arg2: memref<32x80x128xi32, #tpu.memory_space<hbm>>, %arg3: memref<32x10240xf32, #tpu.memory_space<hbm>>, %arg4: memref<80x128xi32, #tpu.memory_space<vmem>>, %arg5: memref<10240xf32, #tpu.memory_space<vmem>>) attributes {dimension_semantics = [#tpu.dimension_semantics<core_parallel>, #tpu.dimension_semantics<subcore_parallel>], iteration_bounds = array<i64: 2, 16>, scalar_prefetch = 0 : i64, scratch_operands = 2 : i64, tpu.core_type = #tpu.core_type<sc_vector_subcore>, window_params = [{transform_indices = #map}, {transform_indices = #map1}]} {
    %mul3A = arith.constant 2 : i32
    %mul3A_0 = arith.muli %arg1, %mul3A : i32
    %add3A = arith.addi %mul3A_0, %arg0 : i32
    "tpu.region"() ({
      %run_scoped3A = tpu.sem_alloc : memref<!tpu.dma_semaphore, #tpu.memory_space<semaphore_mem>>
      %dma_start3A = arith.constant 0 : i32
      %dma_start3A_13 = arith.constant 0 : i32
      %dma_start3A_14 = tpu.memref_slice %arg2[%add3A, %dma_start3A, %dma_start3A_13] : memref<32x80x128xi32, #tpu.memory_space<hbm>> -> memref<1x80x128xi32, #tpu.memory_space<hbm>>
      %dma_start3A_15 = tpu.memref_squeeze %dma_start3A_14 : memref<1x80x128xi32, #tpu.memory_space<hbm>> -> memref<80x128xi32, #tpu.memory_space<hbm>>
      %dma_start3A_16 = arith.constant 0 : i32
      %dma_start3A_17 = arith.constant 0 : i32
      %dma_start3A_18 = tpu.memref_slice %arg2[%add3A, %dma_start3A_16, %dma_start3A_17] : memref<32x80x128xi32, #tpu.memory_space<hbm>> -> memref<1x80x128xi32, #tpu.memory_space<hbm>>
      %dma_start3A_19 = tpu.memref_squeeze %dma_start3A_18 : memref<1x80x128xi32, #tpu.memory_space<hbm>> -> memref<80x128xi32, #tpu.memory_space<hbm>>
      tpu.enqueue_dma source(%dma_start3A_19 : memref<80x128xi32, #tpu.memory_space<hbm>>) target(%arg4 : memref<80x128xi32, #tpu.memory_space<vmem>>) target_semaphore(%run_scoped3A : memref<!tpu.dma_semaphore, #tpu.memory_space<semaphore_mem>>)
      %dma_wait3A = arith.constant 0 : i32
      %dma_wait3A_20 = arith.constant 0 : i32
      %dma_wait3A_21 = tpu.memref_slice %arg2[%add3A, %dma_wait3A, %dma_wait3A_20] : memref<32x80x128xi32, #tpu.memory_space<hbm>> -> memref<1x80x128xi32, #tpu.memory_space<hbm>>
      %dma_wait3A_22 = tpu.memref_squeeze %dma_wait3A_21 : memref<1x80x128xi32, #tpu.memory_space<hbm>> -> memref<80x128xi32, #tpu.memory_space<hbm>>
      %dma_wait3A_23 = arith.constant 0 : i32
      %dma_wait3A_24 = arith.constant 0 : i32
      %dma_wait3A_25 = tpu.memref_slice %arg2[%add3A, %dma_wait3A_23, %dma_wait3A_24] : memref<32x80x128xi32, #tpu.memory_space<hbm>> -> memref<1x80x128xi32, #tpu.memory_space<hbm>>
      %dma_wait3A_26 = tpu.memref_squeeze %dma_wait3A_25 : memref<1x80x128xi32, #tpu.memory_space<hbm>> -> memref<80x128xi32, #tpu.memory_space<hbm>>
      tpu.wait_dma2 semaphore(%run_scoped3A : memref<!tpu.dma_semaphore, #tpu.memory_space<semaphore_mem>>) src(%dma_wait3A_26 : memref<80x128xi32, #tpu.memory_space<hbm>>) dst(%arg4 : memref<80x128xi32, #tpu.memory_space<vmem>>)
      tpu.yield
    }) : () -> ()
    %broadcast_in_dim3A = arith.constant 0.000000e+00 : f32
    %broadcast_in_dim3A_1 = vector.broadcast %broadcast_in_dim3A : f32 to vector<16xf32>
    %scan3A = arith.constant 0 : i32
    %scan3A_2 = arith.constant 640 : i32
    %scan3A_3 = arith.addi %scan3A, %scan3A_2 : i32
    %scan3A_4 = arith.constant 1 : i32
    scf.for %scan3A_13 = %scan3A to %scan3A_3 step %scan3A_4  : i32 {
      %mul3A_14 = arith.constant 16 : i32
      %mul3A_15 = arith.muli %scan3A_13, %mul3A_14 : i32
      %add3A_16 = arith.constant 0 : i32
      %add3A_17 = arith.addi %add3A_16, %mul3A_15 : i32
      %swap3A = arith.index_cast %add3A_17 : i32 to index
      %swap3A_18 = tpu.vector_load %arg5[%swap3A] {strides = array<i32>} : memref<10240xf32, #tpu.memory_space<vmem>>, vector<16xf32>,
      tpu.vector_store %arg5[%swap3A], %broadcast_in_dim3A_1 {strides = array<i32>} : memref<10240xf32, #tpu.memory_space<vmem>>, vector<16xf32>,
    }
    %scan3A_5 = arith.constant 640 : i32
    %broadcast_in_dim3A_6 = arith.constant 1.000000e+00 : f32
    %broadcast_in_dim3A_7 = vector.broadcast %broadcast_in_dim3A_6 : f32 to vector<16xf32>
    %scan3A_8 = arith.constant 0 : i32
    %scan3A_9 = arith.constant 80 : i32
    %scan3A_10 = arith.addi %scan3A_8, %scan3A_9 : i32
    %scan3A_11 = arith.constant 1 : i32
    scf.for %scan3A_13 = %scan3A_8 to %scan3A_10 step %scan3A_11  : i32 {
      %mul3A_14 = arith.constant 1 : i32
      %mul3A_15 = arith.muli %scan3A_13, %mul3A_14 : i32
      %add3A_16 = arith.constant 0 : i32
      %add3A_17 = arith.addi %add3A_16, %mul3A_15 : i32
      %scan3A_18 = arith.constant 0 : i32
      %scan3A_19 = arith.constant 8 : i32
      %scan3A_20 = arith.addi %scan3A_18, %scan3A_19 : i32
      %scan3A_21 = arith.constant 1 : i32
      scf.for %scan3A_23 = %scan3A_18 to %scan3A_20 step %scan3A_21  : i32 {
        %mul3A_24 = arith.constant 16 : i32
        %mul3A_25 = arith.muli %scan3A_23, %mul3A_24 : i32
        %add3A_26 = arith.constant 0 : i32
        %add3A_27 = arith.addi %add3A_26, %mul3A_25 : i32
        %get3A = arith.index_cast %add3A_17 : i32 to index
        %get3A_28 = arith.index_cast %add3A_27 : i32 to index
        %get3A_29 = tpu.vector_load %arg4[%get3A, %get3A_28] {strides = array<i32>} : memref<80x128xi32, #tpu.memory_space<vmem>>, vector<16xi32>,
        tpu.vector_store_idx %arg5[%get3A_29], %broadcast_in_dim3A_7 {add = true} : memref<10240xf32, #tpu.memory_space<vmem>>[vector<16xi32>], vector<16xf32>,
      }
      %scan3A_22 = arith.constant 8 : i32
    }
    %scan3A_12 = arith.constant 80 : i32
    "tpu.region"() ({
      %run_scoped3A = tpu.sem_alloc : memref<!tpu.dma_semaphore, #tpu.memory_space<semaphore_mem>>
      %dma_start3A = arith.constant 0 : i32
      %dma_start3A_13 = tpu.memref_slice %arg3[%add3A, %dma_start3A] : memref<32x10240xf32, #tpu.memory_space<hbm>> -> memref<1x10240xf32, #tpu.memory_space<hbm>>
      %dma_start3A_14 = tpu.memref_squeeze %dma_start3A_13 : memref<1x10240xf32, #tpu.memory_space<hbm>> -> memref<10240xf32, #tpu.memory_space<hbm>>
      %dma_start3A_15 = arith.constant 0 : i32
      %dma_start3A_16 = tpu.memref_slice %arg3[%add3A, %dma_start3A_15] : memref<32x10240xf32, #tpu.memory_space<hbm>> -> memref<1x10240xf32, #tpu.memory_space<hbm>>
      %dma_start3A_17 = tpu.memref_squeeze %dma_start3A_16 : memref<1x10240xf32, #tpu.memory_space<hbm>> -> memref<10240xf32, #tpu.memory_space<hbm>>
      tpu.enqueue_dma source(%arg5 : memref<10240xf32, #tpu.memory_space<vmem>>) target(%dma_start3A_17 : memref<10240xf32, #tpu.memory_space<hbm>>) target_semaphore(%run_scoped3A : memref<!tpu.dma_semaphore, #tpu.memory_space<semaphore_mem>>)
      %dma_wait3A = arith.constant 0 : i32
      %dma_wait3A_18 = tpu.memref_slice %arg3[%add3A, %dma_wait3A] : memref<32x10240xf32, #tpu.memory_space<hbm>> -> memref<1x10240xf32, #tpu.memory_space<hbm>>
      %dma_wait3A_19 = tpu.memref_squeeze %dma_wait3A_18 : memref<1x10240xf32, #tpu.memory_space<hbm>> -> memref<10240xf32, #tpu.memory_space<hbm>>
      %dma_wait3A_20 = arith.constant 0 : i32
      %dma_wait3A_21 = tpu.memref_slice %arg3[%add3A, %dma_wait3A_20] : memref<32x10240xf32, #tpu.memory_space<hbm>> -> memref<1x10240xf32, #tpu.memory_space<hbm>>
      %dma_wait3A_22 = tpu.memref_squeeze %dma_wait3A_21 : memref<1x10240xf32, #tpu.memory_space<hbm>> -> memref<10240xf32, #tpu.memory_space<hbm>>
      tpu.wait_dma2 semaphore(%run_scoped3A : memref<!tpu.dma_semaphore, #tpu.memory_space<semaphore_mem>>) src(%arg5 : memref<10240xf32, #tpu.memory_space<vmem>>) dst(%dma_wait3A_22 : memref<10240xf32, #tpu.memory_space<hbm>>)
      tpu.yield
    }) : () -> ()
    return
  }
}

#map = affine_map<(d0, d1) -> (0, 0)>
#map1 = affine_map<(d0, d1) -> (0, 0, 0)>
module attributes {stable_mosaic.version = 14 : i64} {
  func.func @_agg(%arg0: i32, %arg1: i32, %arg2: memref<10240x128xf32, #tpu.memory_space<hbm>>, %arg3: memref<32x160x64xi32, #tpu.memory_space<hbm>>, %arg4: memref<32x160x64xi32, #tpu.memory_space<hbm>>, %arg5: memref<2x10240x128xf32, #tpu.memory_space<hbm>>, %arg6: memref<40x64xi32, #tpu.memory_space<vmem>>, %arg7: memref<40x64xi32, #tpu.memory_space<vmem>>, %arg8: memref<64x128xf32, #tpu.memory_space<vmem>>, %arg9: memref<64x128xf32, #tpu.memory_space<vmem>>, %arg10: memref<64x128xf32, #tpu.memory_space<vmem>>, %arg11: memref<64x128xf32, #tpu.memory_space<vmem>>, %arg12: memref<10240x128xf32, #tpu.memory_space<vmem_shared>>, %arg13: memref<4x!tpu.dma_semaphore, #tpu.memory_space<semaphore_mem>>, %arg14: memref<4x!tpu.dma_semaphore, #tpu.memory_space<semaphore_mem>>) attributes {dimension_semantics = [#tpu.dimension_semantics<core_parallel>, #tpu.dimension_semantics<subcore_parallel>], iteration_bounds = array<i64: 2, 16>, scalar_prefetch = 0 : i64, scratch_operands = 9 : i64, tpu.core_type = #tpu.core_type<sc_vector_subcore>, window_params = [{transform_indices = #map}, {transform_indices = #map1}, {transform_indices = #map1}, {transform_indices = #map1}]} {
    %mul3A = arith.constant 2 : i32
    %mul3A_0 = arith.muli %arg1, %mul3A : i32
    %add3A = arith.addi %mul3A_0, %arg0 : i32
    %broadcast_in_dim3A = arith.constant 0.000000e+00 : f32
    %broadcast_in_dim3A_1 = vector.broadcast %broadcast_in_dim3A : f32 to vector<16xf32>
    %scan3A = arith.constant 0 : i32
    %scan3A_2 = arith.constant 64 : i32
    %scan3A_3 = arith.addi %scan3A, %scan3A_2 : i32
    %scan3A_4 = arith.constant 1 : i32
    scf.for %scan3A_21 = %scan3A to %scan3A_3 step %scan3A_4  : i32 {
      %mul3A_22 = arith.constant 1 : i32
      %mul3A_23 = arith.muli %scan3A_21, %mul3A_22 : i32
      %add3A_24 = arith.constant 0 : i32
      %add3A_25 = arith.addi %add3A_24, %mul3A_23 : i32
      %scan3A_26 = arith.constant 0 : i32
      %scan3A_27 = arith.constant 8 : i32
      %scan3A_28 = arith.addi %scan3A_26, %scan3A_27 : i32
      %scan3A_29 = arith.constant 1 : i32
      scf.for %scan3A_31 = %scan3A_26 to %scan3A_28 step %scan3A_29  : i32 {
        %mul3A_32 = arith.constant 16 : i32
        %mul3A_33 = arith.muli %scan3A_31, %mul3A_32 : i32
        %add3A_34 = arith.constant 0 : i32
        %add3A_35 = arith.addi %add3A_34, %mul3A_33 : i32
        %swap3A = arith.index_cast %add3A_25 : i32 to index
        %swap3A_36 = arith.index_cast %add3A_35 : i32 to index
        %swap3A_37 = tpu.vector_load %arg8[%swap3A, %swap3A_36] {strides = array<i32>} : memref<64x128xf32, #tpu.memory_space<vmem>>, vector<16xf32>,
        tpu.vector_store %arg8[%swap3A, %swap3A_36], %broadcast_in_dim3A_1 {strides = array<i32>} : memref<64x128xf32, #tpu.memory_space<vmem>>, vector<16xf32>,
      }
      %scan3A_30 = arith.constant 8 : i32
    }
    %scan3A_5 = arith.constant 64 : i32
    %scan3A_6 = arith.constant 0 : i32
    %scan3A_7 = arith.constant 10 : i32
    %scan3A_8 = arith.addi %scan3A_6, %scan3A_7 : i32
    %scan3A_9 = arith.constant 1 : i32
    scf.for %scan3A_21 = %scan3A_6 to %scan3A_8 step %scan3A_9  : i32 {
      %mul3A_22 = arith.constant 64 : i32
      %mul3A_23 = arith.muli %scan3A_21, %mul3A_22 : i32
      %add3A_24 = arith.constant 0 : i32
      %add3A_25 = arith.addi %add3A_24, %mul3A_23 : i32
      %mul3A_26 = arith.constant 640 : i32
      %mul3A_27 = arith.muli %arg1, %mul3A_26 : i32
      %add3A_28 = arith.addi %mul3A_27, %add3A_25 : i32
      "tpu.region"() ({
        %run_scoped3A = tpu.sem_alloc : memref<!tpu.dma_semaphore, #tpu.memory_space<semaphore_mem>>
        %dma_start3A = arith.constant 0 : i32
        %dma_start3A_29 = tpu.memref_slice %arg12[%add3A_28, %dma_start3A] : memref<10240x128xf32, #tpu.memory_space<vmem_shared>> -> memref<64x128xf32, #tpu.memory_space<vmem_shared>>
        %dma_start3A_30 = arith.constant 0 : i32
        %dma_start3A_31 = tpu.memref_slice %arg12[%add3A_28, %dma_start3A_30] : memref<10240x128xf32, #tpu.memory_space<vmem_shared>> -> memref<64x128xf32, #tpu.memory_space<vmem_shared>>
        tpu.enqueue_dma source(%arg8 : memref<64x128xf32, #tpu.memory_space<vmem>>) target(%dma_start3A_31 : memref<64x128xf32, #tpu.memory_space<vmem_shared>>) target_semaphore(%run_scoped3A : memref<!tpu.dma_semaphore, #tpu.memory_space<semaphore_mem>>)
        %dma_wait3A = arith.constant 0 : i32
        %dma_wait3A_32 = tpu.memref_slice %arg12[%add3A_28, %dma_wait3A] : memref<10240x128xf32, #tpu.memory_space<vmem_shared>> -> memref<64x128xf32, #tpu.memory_space<vmem_shared>>
        %dma_wait3A_33 = arith.constant 0 : i32
        %dma_wait3A_34 = tpu.memref_slice %arg12[%add3A_28, %dma_wait3A_33] : memref<10240x128xf32, #tpu.memory_space<vmem_shared>> -> memref<64x128xf32, #tpu.memory_space<vmem_shared>>
        tpu.wait_dma2 semaphore(%run_scoped3A : memref<!tpu.dma_semaphore, #tpu.memory_space<semaphore_mem>>) src(%arg8 : memref<64x128xf32, #tpu.memory_space<vmem>>) dst(%dma_wait3A_34 : memref<64x128xf32, #tpu.memory_space<vmem_shared>>)
        tpu.yield
      }) : () -> ()
    }
    %scan3A_10 = arith.constant 10 : i32
    %barrier3A = arith.constant 0 : index
    tpu.barrier barrier_id(%barrier3A)
    %scan3A_11 = arith.constant 0 : i32
    %scan3A_12 = arith.constant 4 : i32
    %scan3A_13 = arith.addi %scan3A_11, %scan3A_12 : i32
    %scan3A_14 = arith.constant 1 : i32
    scf.for %scan3A_21 = %scan3A_11 to %scan3A_13 step %scan3A_14  : i32 {
      %mul3A_22 = arith.constant 1 : i32
      %mul3A_23 = arith.muli %scan3A_21, %mul3A_22 : i32
      %add3A_24 = arith.constant 0 : i32
      %add3A_25 = arith.addi %add3A_24, %mul3A_23 : i32
      %mul3A_26 = arith.constant 40 : i32
      %mul3A_27 = arith.muli %add3A_25, %mul3A_26 : i32
      "tpu.region"() ({
        %run_scoped3A = tpu.sem_alloc : memref<!tpu.dma_semaphore, #tpu.memory_space<semaphore_mem>>
        %dma_start3A = arith.constant 0 : i32
        %dma_start3A_35 = arith.constant 0 : i32
        %dma_start3A_36 = tpu.memref_slice %arg3[%add3A, %dma_start3A, %dma_start3A_35] : memref<32x160x64xi32, #tpu.memory_space<hbm>> -> memref<1x160x64xi32, #tpu.memory_space<hbm>>
        %dma_start3A_37 = tpu.memref_squeeze %dma_start3A_36 : memref<1x160x64xi32, #tpu.memory_space<hbm>> -> memref<160x64xi32, #tpu.memory_space<hbm>>
        %dma_start3A_38 = arith.constant 0 : i32
        %dma_start3A_39 = tpu.memref_slice %dma_start3A_37[%mul3A_27, %dma_start3A_38] : memref<160x64xi32, #tpu.memory_space<hbm>> -> memref<40x64xi32, #tpu.memory_space<hbm>>
        %dma_start3A_40 = arith.constant 0 : i32
        %dma_start3A_41 = arith.constant 0 : i32
        %dma_start3A_42 = tpu.memref_slice %arg3[%add3A, %dma_start3A_40, %dma_start3A_41] : memref<32x160x64xi32, #tpu.memory_space<hbm>> -> memref<1x160x64xi32, #tpu.memory_space<hbm>>
        %dma_start3A_43 = tpu.memref_squeeze %dma_start3A_42 : memref<1x160x64xi32, #tpu.memory_space<hbm>> -> memref<160x64xi32, #tpu.memory_space<hbm>>
        %dma_start3A_44 = arith.constant 0 : i32
        %dma_start3A_45 = tpu.memref_slice %dma_start3A_43[%mul3A_27, %dma_start3A_44] : memref<160x64xi32, #tpu.memory_space<hbm>> -> memref<40x64xi32, #tpu.memory_space<hbm>>
        tpu.enqueue_dma source(%dma_start3A_45 : memref<40x64xi32, #tpu.memory_space<hbm>>) target(%arg6 : memref<40x64xi32, #tpu.memory_space<vmem>>) target_semaphore(%run_scoped3A : memref<!tpu.dma_semaphore, #tpu.memory_space<semaphore_mem>>)
        %dma_wait3A = arith.constant 0 : i32
        %dma_wait3A_46 = arith.constant 0 : i32
        %dma_wait3A_47 = tpu.memref_slice %arg3[%add3A, %dma_wait3A, %dma_wait3A_46] : memref<32x160x64xi32, #tpu.memory_space<hbm>> -> memref<1x160x64xi32, #tpu.memory_space<hbm>>
        %dma_wait3A_48 = tpu.memref_squeeze %dma_wait3A_47 : memref<1x160x64xi32, #tpu.memory_space<hbm>> -> memref<160x64xi32, #tpu.memory_space<hbm>>
        %dma_wait3A_49 = arith.constant 0 : i32
        %dma_wait3A_50 = tpu.memref_slice %dma_wait3A_48[%mul3A_27, %dma_wait3A_49] : memref<160x64xi32, #tpu.memory_space<hbm>> -> memref<40x64xi32, #tpu.memory_space<hbm>>
        %dma_wait3A_51 = arith.constant 0 : i32
        %dma_wait3A_52 = arith.constant 0 : i32
        %dma_wait3A_53 = tpu.memref_slice %arg3[%add3A, %dma_wait3A_51, %dma_wait3A_52] : memref<32x160x64xi32, #tpu.memory_space<hbm>> -> memref<1x160x64xi32, #tpu.memory_space<hbm>>
        %dma_wait3A_54 = tpu.memref_squeeze %dma_wait3A_53 : memref<1x160x64xi32, #tpu.memory_space<hbm>> -> memref<160x64xi32, #tpu.memory_space<hbm>>
        %dma_wait3A_55 = arith.constant 0 : i32
        %dma_wait3A_56 = tpu.memref_slice %dma_wait3A_54[%mul3A_27, %dma_wait3A_55] : memref<160x64xi32, #tpu.memory_space<hbm>> -> memref<40x64xi32, #tpu.memory_space<hbm>>
        tpu.wait_dma2 semaphore(%run_scoped3A : memref<!tpu.dma_semaphore, #tpu.memory_space<semaphore_mem>>) src(%dma_wait3A_56 : memref<40x64xi32, #tpu.memory_space<hbm>>) dst(%arg6 : memref<40x64xi32, #tpu.memory_space<vmem>>)
        tpu.yield
      }) : () -> ()
      %mul3A_28 = arith.constant 40 : i32
      %mul3A_29 = arith.muli %add3A_25, %mul3A_28 : i32
      "tpu.region"() ({
        %run_scoped3A = tpu.sem_alloc : memref<!tpu.dma_semaphore, #tpu.memory_space<semaphore_mem>>
        %dma_start3A = arith.constant 0 : i32
        %dma_start3A_35 = arith.constant 0 : i32
        %dma_start3A_36 = tpu.memref_slice %arg4[%add3A, %dma_start3A, %dma_start3A_35] : memref<32x160x64xi32, #tpu.memory_space<hbm>> -> memref<1x160x64xi32, #tpu.memory_space<hbm>>
        %dma_start3A_37 = tpu.memref_squeeze %dma_start3A_36 : memref<1x160x64xi32, #tpu.memory_space<hbm>> -> memref<160x64xi32, #tpu.memory_space<hbm>>
        %dma_start3A_38 = arith.constant 0 : i32
        %dma_start3A_39 = tpu.memref_slice %dma_start3A_37[%mul3A_29, %dma_start3A_38] : memref<160x64xi32, #tpu.memory_space<hbm>> -> memref<40x64xi32, #tpu.memory_space<hbm>>
        %dma_start3A_40 = arith.constant 0 : i32
        %dma_start3A_41 = arith.constant 0 : i32
        %dma_start3A_42 = tpu.memref_slice %arg4[%add3A, %dma_start3A_40, %dma_start3A_41] : memref<32x160x64xi32, #tpu.memory_space<hbm>> -> memref<1x160x64xi32, #tpu.memory_space<hbm>>
        %dma_start3A_43 = tpu.memref_squeeze %dma_start3A_42 : memref<1x160x64xi32, #tpu.memory_space<hbm>> -> memref<160x64xi32, #tpu.memory_space<hbm>>
        %dma_start3A_44 = arith.constant 0 : i32
        %dma_start3A_45 = tpu.memref_slice %dma_start3A_43[%mul3A_29, %dma_start3A_44] : memref<160x64xi32, #tpu.memory_space<hbm>> -> memref<40x64xi32, #tpu.memory_space<hbm>>
        tpu.enqueue_dma source(%dma_start3A_45 : memref<40x64xi32, #tpu.memory_space<hbm>>) target(%arg7 : memref<40x64xi32, #tpu.memory_space<vmem>>) target_semaphore(%run_scoped3A : memref<!tpu.dma_semaphore, #tpu.memory_space<semaphore_mem>>)
        %dma_wait3A = arith.constant 0 : i32
        %dma_wait3A_46 = arith.constant 0 : i32
        %dma_wait3A_47 = tpu.memref_slice %arg4[%add3A, %dma_wait3A, %dma_wait3A_46] : memref<32x160x64xi32, #tpu.memory_space<hbm>> -> memref<1x160x64xi32, #tpu.memory_space<hbm>>
        %dma_wait3A_48 = tpu.memref_squeeze %dma_wait3A_47 : memref<1x160x64xi32, #tpu.memory_space<hbm>> -> memref<160x64xi32, #tpu.memory_space<hbm>>
        %dma_wait3A_49 = arith.constant 0 : i32
        %dma_wait3A_50 = tpu.memref_slice %dma_wait3A_48[%mul3A_29, %dma_wait3A_49] : memref<160x64xi32, #tpu.memory_space<hbm>> -> memref<40x64xi32, #tpu.memory_space<hbm>>
        %dma_wait3A_51 = arith.constant 0 : i32
        %dma_wait3A_52 = arith.constant 0 : i32
        %dma_wait3A_53 = tpu.memref_slice %arg4[%add3A, %dma_wait3A_51, %dma_wait3A_52] : memref<32x160x64xi32, #tpu.memory_space<hbm>> -> memref<1x160x64xi32, #tpu.memory_space<hbm>>
        %dma_wait3A_54 = tpu.memref_squeeze %dma_wait3A_53 : memref<1x160x64xi32, #tpu.memory_space<hbm>> -> memref<160x64xi32, #tpu.memory_space<hbm>>
        %dma_wait3A_55 = arith.constant 0 : i32
        %dma_wait3A_56 = tpu.memref_slice %dma_wait3A_54[%mul3A_29, %dma_wait3A_55] : memref<160x64xi32, #tpu.memory_space<hbm>> -> memref<40x64xi32, #tpu.memory_space<hbm>>
        tpu.wait_dma2 semaphore(%run_scoped3A : memref<!tpu.dma_semaphore, #tpu.memory_space<semaphore_mem>>) src(%dma_wait3A_56 : memref<40x64xi32, #tpu.memory_space<hbm>>) dst(%arg7 : memref<40x64xi32, #tpu.memory_space<vmem>>)
        tpu.yield
      }) : () -> ()
      %scan3A_30 = arith.constant 0 : i32
      %scan3A_31 = arith.constant 10 : i32
      %scan3A_32 = arith.addi %scan3A_30, %scan3A_31 : i32
      %scan3A_33 = arith.constant 1 : i32
      scf.for %scan3A_35 = %scan3A_30 to %scan3A_32 step %scan3A_33  : i32 {
        %mul3A_36 = arith.constant 4 : i32
        %mul3A_37 = arith.muli %scan3A_35, %mul3A_36 : i32
        %add3A_38 = arith.constant 0 : i32
        %add3A_39 = arith.addi %add3A_38, %mul3A_37 : i32
        %add3A_40 = arith.constant 0 : i32
        %add3A_41 = arith.addi %add3A_39, %add3A_40 : i32
        %dma_start3A = arith.constant 0 : i32
        %dma_start3A_42 = arith.constant 0 : i32
        %dma_start3A_43 = tpu.memref_slice %arg6[%add3A_41, %dma_start3A_42] : memref<40x64xi32, #tpu.memory_space<vmem>> -> memref<1x64xi32, #tpu.memory_space<vmem>>
        %dma_start3A_44 = tpu.memref_squeeze %dma_start3A_43 : memref<1x64xi32, #tpu.memory_space<vmem>> -> memref<64xi32, #tpu.memory_space<vmem>>
        %dma_start3A_45 = arith.constant 0 : i32
        %dma_start3A_46 = arith.constant 0 : i32
        %dma_start3A_47 = tpu.memref_slice %arg2[%dma_start3A_45, %dma_start3A_46] : memref<10240x128xf32, #tpu.memory_space<hbm>> -> memref<10240x128xf32, #tpu.memory_space<hbm>>
        %dma_start3A_48 = tpu.memref_slice %arg13[%dma_start3A] : memref<4x!tpu.dma_semaphore, #tpu.memory_space<semaphore_mem>> -> memref<1x!tpu.dma_semaphore, #tpu.memory_space<semaphore_mem>>
        %dma_start3A_49 = tpu.memref_squeeze %dma_start3A_48 : memref<1x!tpu.dma_semaphore, #tpu.memory_space<semaphore_mem>> -> memref<!tpu.dma_semaphore, #tpu.memory_space<semaphore_mem>>
        tpu.enqueue_indirect_dma source(%dma_start3A_47 : memref<10240x128xf32, #tpu.memory_space<hbm>>) target(%arg8 : memref<64x128xf32, #tpu.memory_space<vmem>>) offsets(%dma_start3A_44 : memref<64xi32, #tpu.memory_space<vmem>>) semaphore(%dma_start3A_49 : memref<!tpu.dma_semaphore, #tpu.memory_space<semaphore_mem>>)
        %add3A_50 = arith.constant 1 : i32
        %add3A_51 = arith.addi %add3A_39, %add3A_50 : i32
        %dma_start3A_52 = arith.constant 1 : i32
        %dma_start3A_53 = arith.constant 0 : i32
        %dma_start3A_54 = tpu.memref_slice %arg6[%add3A_51, %dma_start3A_53] : memref<40x64xi32, #tpu.memory_space<vmem>> -> memref<1x64xi32, #tpu.memory_space<vmem>>
        %dma_start3A_55 = tpu.memref_squeeze %dma_start3A_54 : memref<1x64xi32, #tpu.memory_space<vmem>> -> memref<64xi32, #tpu.memory_space<vmem>>
        %dma_start3A_56 = arith.constant 0 : i32
        %dma_start3A_57 = arith.constant 0 : i32
        %dma_start3A_58 = tpu.memref_slice %arg2[%dma_start3A_56, %dma_start3A_57] : memref<10240x128xf32, #tpu.memory_space<hbm>> -> memref<10240x128xf32, #tpu.memory_space<hbm>>
        %dma_start3A_59 = tpu.memref_slice %arg13[%dma_start3A_52] : memref<4x!tpu.dma_semaphore, #tpu.memory_space<semaphore_mem>> -> memref<1x!tpu.dma_semaphore, #tpu.memory_space<semaphore_mem>>
        %dma_start3A_60 = tpu.memref_squeeze %dma_start3A_59 : memref<1x!tpu.dma_semaphore, #tpu.memory_space<semaphore_mem>> -> memref<!tpu.dma_semaphore, #tpu.memory_space<semaphore_mem>>
        tpu.enqueue_indirect_dma source(%dma_start3A_58 : memref<10240x128xf32, #tpu.memory_space<hbm>>) target(%arg9 : memref<64x128xf32, #tpu.memory_space<vmem>>) offsets(%dma_start3A_55 : memref<64xi32, #tpu.memory_space<vmem>>) semaphore(%dma_start3A_60 : memref<!tpu.dma_semaphore, #tpu.memory_space<semaphore_mem>>)
        %add3A_61 = arith.constant 2 : i32
        %add3A_62 = arith.addi %add3A_39, %add3A_61 : i32
        %dma_start3A_63 = arith.constant 2 : i32
        %dma_start3A_64 = arith.constant 0 : i32
        %dma_start3A_65 = tpu.memref_slice %arg6[%add3A_62, %dma_start3A_64] : memref<40x64xi32, #tpu.memory_space<vmem>> -> memref<1x64xi32, #tpu.memory_space<vmem>>
        %dma_start3A_66 = tpu.memref_squeeze %dma_start3A_65 : memref<1x64xi32, #tpu.memory_space<vmem>> -> memref<64xi32, #tpu.memory_space<vmem>>
        %dma_start3A_67 = arith.constant 0 : i32
        %dma_start3A_68 = arith.constant 0 : i32
        %dma_start3A_69 = tpu.memref_slice %arg2[%dma_start3A_67, %dma_start3A_68] : memref<10240x128xf32, #tpu.memory_space<hbm>> -> memref<10240x128xf32, #tpu.memory_space<hbm>>
        %dma_start3A_70 = tpu.memref_slice %arg13[%dma_start3A_63] : memref<4x!tpu.dma_semaphore, #tpu.memory_space<semaphore_mem>> -> memref<1x!tpu.dma_semaphore, #tpu.memory_space<semaphore_mem>>
        %dma_start3A_71 = tpu.memref_squeeze %dma_start3A_70 : memref<1x!tpu.dma_semaphore, #tpu.memory_space<semaphore_mem>> -> memref<!tpu.dma_semaphore, #tpu.memory_space<semaphore_mem>>
        tpu.enqueue_indirect_dma source(%dma_start3A_69 : memref<10240x128xf32, #tpu.memory_space<hbm>>) target(%arg10 : memref<64x128xf32, #tpu.memory_space<vmem>>) offsets(%dma_start3A_66 : memref<64xi32, #tpu.memory_space<vmem>>) semaphore(%dma_start3A_71 : memref<!tpu.dma_semaphore, #tpu.memory_space<semaphore_mem>>)
        %add3A_72 = arith.constant 3 : i32
        %add3A_73 = arith.addi %add3A_39, %add3A_72 : i32
        %dma_start3A_74 = arith.constant 3 : i32
        %dma_start3A_75 = arith.constant 0 : i32
        %dma_start3A_76 = tpu.memref_slice %arg6[%add3A_73, %dma_start3A_75] : memref<40x64xi32, #tpu.memory_space<vmem>> -> memref<1x64xi32, #tpu.memory_space<vmem>>
        %dma_start3A_77 = tpu.memref_squeeze %dma_start3A_76 : memref<1x64xi32, #tpu.memory_space<vmem>> -> memref<64xi32, #tpu.memory_space<vmem>>
        %dma_start3A_78 = arith.constant 0 : i32
        %dma_start3A_79 = arith.constant 0 : i32
        %dma_start3A_80 = tpu.memref_slice %arg2[%dma_start3A_78, %dma_start3A_79] : memref<10240x128xf32, #tpu.memory_space<hbm>> -> memref<10240x128xf32, #tpu.memory_space<hbm>>
        %dma_start3A_81 = tpu.memref_slice %arg13[%dma_start3A_74] : memref<4x!tpu.dma_semaphore, #tpu.memory_space<semaphore_mem>> -> memref<1x!tpu.dma_semaphore, #tpu.memory_space<semaphore_mem>>
        %dma_start3A_82 = tpu.memref_squeeze %dma_start3A_81 : memref<1x!tpu.dma_semaphore, #tpu.memory_space<semaphore_mem>> -> memref<!tpu.dma_semaphore, #tpu.memory_space<semaphore_mem>>
        tpu.enqueue_indirect_dma source(%dma_start3A_80 : memref<10240x128xf32, #tpu.memory_space<hbm>>) target(%arg11 : memref<64x128xf32, #tpu.memory_space<vmem>>) offsets(%dma_start3A_77 : memref<64xi32, #tpu.memory_space<vmem>>) semaphore(%dma_start3A_82 : memref<!tpu.dma_semaphore, #tpu.memory_space<semaphore_mem>>)
        %add3A_83 = arith.constant 0 : i32
        %add3A_84 = arith.addi %add3A_39, %add3A_83 : i32
        %dma_wait3A = arith.constant 0 : i32
        %dma_wait3A_85 = arith.constant 0 : i32
        %dma_wait3A_86 = tpu.memref_slice %arg6[%add3A_84, %dma_wait3A_85] : memref<40x64xi32, #tpu.memory_space<vmem>> -> memref<1x64xi32, #tpu.memory_space<vmem>>
        %dma_wait3A_87 = tpu.memref_squeeze %dma_wait3A_86 : memref<1x64xi32, #tpu.memory_space<vmem>> -> memref<64xi32, #tpu.memory_space<vmem>>
        %dma_wait3A_88 = arith.constant 0 : i32
        %dma_wait3A_89 = arith.constant 0 : i32
        %dma_wait3A_90 = tpu.memref_slice %arg2[%dma_wait3A_88, %dma_wait3A_89] : memref<10240x128xf32, #tpu.memory_space<hbm>> -> memref<10240x128xf32, #tpu.memory_space<hbm>>
        %dma_wait3A_91 = tpu.memref_slice %arg13[%dma_wait3A] : memref<4x!tpu.dma_semaphore, #tpu.memory_space<semaphore_mem>> -> memref<1x!tpu.dma_semaphore, #tpu.memory_space<semaphore_mem>>
        %dma_wait3A_92 = tpu.memref_squeeze %dma_wait3A_91 : memref<1x!tpu.dma_semaphore, #tpu.memory_space<semaphore_mem>> -> memref<!tpu.dma_semaphore, #tpu.memory_space<semaphore_mem>>
        tpu.wait_indirect_dma semaphore(%dma_wait3A_92 : memref<!tpu.dma_semaphore, #tpu.memory_space<semaphore_mem>>) src(%dma_wait3A_90 : memref<10240x128xf32, #tpu.memory_space<hbm>>) dst(%arg8 : memref<64x128xf32, #tpu.memory_space<vmem>>)
        %add3A_93 = arith.constant 0 : i32
        %add3A_94 = arith.addi %add3A_39, %add3A_93 : i32
        %dma_start3A_95 = arith.constant 0 : i32
        %dma_start3A_96 = arith.constant 0 : i32
        %dma_start3A_97 = tpu.memref_slice %arg7[%add3A_94, %dma_start3A_96] : memref<40x64xi32, #tpu.memory_space<vmem>> -> memref<1x64xi32, #tpu.memory_space<vmem>>
        %dma_start3A_98 = tpu.memref_squeeze %dma_start3A_97 : memref<1x64xi32, #tpu.memory_space<vmem>> -> memref<64xi32, #tpu.memory_space<vmem>>
        %dma_start3A_99 = arith.constant 0 : i32
        %dma_start3A_100 = arith.constant 0 : i32
        %dma_start3A_101 = tpu.memref_slice %arg12[%dma_start3A_99, %dma_start3A_100] : memref<10240x128xf32, #tpu.memory_space<vmem_shared>> -> memref<10240x128xf32, #tpu.memory_space<vmem_shared>>
        %dma_start3A_102 = tpu.memref_slice %arg14[%dma_start3A_95] : memref<4x!tpu.dma_semaphore, #tpu.memory_space<semaphore_mem>> -> memref<1x!tpu.dma_semaphore, #tpu.memory_space<semaphore_mem>>
        %dma_start3A_103 = tpu.memref_squeeze %dma_start3A_102 : memref<1x!tpu.dma_semaphore, #tpu.memory_space<semaphore_mem>> -> memref<!tpu.dma_semaphore, #tpu.memory_space<semaphore_mem>>
        tpu.enqueue_indirect_dma source(%arg8 : memref<64x128xf32, #tpu.memory_space<vmem>>) target(%dma_start3A_101 : memref<10240x128xf32, #tpu.memory_space<vmem_shared>>) offsets(%dma_start3A_98 : memref<64xi32, #tpu.memory_space<vmem>>) semaphore(%dma_start3A_103 : memref<!tpu.dma_semaphore, #tpu.memory_space<semaphore_mem>>) {add = true}
        %add3A_104 = arith.constant 1 : i32
        %add3A_105 = arith.addi %add3A_39, %add3A_104 : i32
        %dma_wait3A_106 = arith.constant 1 : i32
        %dma_wait3A_107 = arith.constant 0 : i32
        %dma_wait3A_108 = tpu.memref_slice %arg6[%add3A_105, %dma_wait3A_107] : memref<40x64xi32, #tpu.memory_space<vmem>> -> memref<1x64xi32, #tpu.memory_space<vmem>>
        %dma_wait3A_109 = tpu.memref_squeeze %dma_wait3A_108 : memref<1x64xi32, #tpu.memory_space<vmem>> -> memref<64xi32, #tpu.memory_space<vmem>>
        %dma_wait3A_110 = arith.constant 0 : i32
        %dma_wait3A_111 = arith.constant 0 : i32
        %dma_wait3A_112 = tpu.memref_slice %arg2[%dma_wait3A_110, %dma_wait3A_111] : memref<10240x128xf32, #tpu.memory_space<hbm>> -> memref<10240x128xf32, #tpu.memory_space<hbm>>
        %dma_wait3A_113 = tpu.memref_slice %arg13[%dma_wait3A_106] : memref<4x!tpu.dma_semaphore, #tpu.memory_space<semaphore_mem>> -> memref<1x!tpu.dma_semaphore, #tpu.memory_space<semaphore_mem>>
        %dma_wait3A_114 = tpu.memref_squeeze %dma_wait3A_113 : memref<1x!tpu.dma_semaphore, #tpu.memory_space<semaphore_mem>> -> memref<!tpu.dma_semaphore, #tpu.memory_space<semaphore_mem>>
        tpu.wait_indirect_dma semaphore(%dma_wait3A_114 : memref<!tpu.dma_semaphore, #tpu.memory_space<semaphore_mem>>) src(%dma_wait3A_112 : memref<10240x128xf32, #tpu.memory_space<hbm>>) dst(%arg9 : memref<64x128xf32, #tpu.memory_space<vmem>>)
        %add3A_115 = arith.constant 1 : i32
        %add3A_116 = arith.addi %add3A_39, %add3A_115 : i32
        %dma_start3A_117 = arith.constant 1 : i32
        %dma_start3A_118 = arith.constant 0 : i32
        %dma_start3A_119 = tpu.memref_slice %arg7[%add3A_116, %dma_start3A_118] : memref<40x64xi32, #tpu.memory_space<vmem>> -> memref<1x64xi32, #tpu.memory_space<vmem>>
        %dma_start3A_120 = tpu.memref_squeeze %dma_start3A_119 : memref<1x64xi32, #tpu.memory_space<vmem>> -> memref<64xi32, #tpu.memory_space<vmem>>
        %dma_start3A_121 = arith.constant 0 : i32
        %dma_start3A_122 = arith.constant 0 : i32
        %dma_start3A_123 = tpu.memref_slice %arg12[%dma_start3A_121, %dma_start3A_122] : memref<10240x128xf32, #tpu.memory_space<vmem_shared>> -> memref<10240x128xf32, #tpu.memory_space<vmem_shared>>
        %dma_start3A_124 = tpu.memref_slice %arg14[%dma_start3A_117] : memref<4x!tpu.dma_semaphore, #tpu.memory_space<semaphore_mem>> -> memref<1x!tpu.dma_semaphore, #tpu.memory_space<semaphore_mem>>
        %dma_start3A_125 = tpu.memref_squeeze %dma_start3A_124 : memref<1x!tpu.dma_semaphore, #tpu.memory_space<semaphore_mem>> -> memref<!tpu.dma_semaphore, #tpu.memory_space<semaphore_mem>>
        tpu.enqueue_indirect_dma source(%arg9 : memref<64x128xf32, #tpu.memory_space<vmem>>) target(%dma_start3A_123 : memref<10240x128xf32, #tpu.memory_space<vmem_shared>>) offsets(%dma_start3A_120 : memref<64xi32, #tpu.memory_space<vmem>>) semaphore(%dma_start3A_125 : memref<!tpu.dma_semaphore, #tpu.memory_space<semaphore_mem>>) {add = true}
        %add3A_126 = arith.constant 2 : i32
        %add3A_127 = arith.addi %add3A_39, %add3A_126 : i32
        %dma_wait3A_128 = arith.constant 2 : i32
        %dma_wait3A_129 = arith.constant 0 : i32
        %dma_wait3A_130 = tpu.memref_slice %arg6[%add3A_127, %dma_wait3A_129] : memref<40x64xi32, #tpu.memory_space<vmem>> -> memref<1x64xi32, #tpu.memory_space<vmem>>
        %dma_wait3A_131 = tpu.memref_squeeze %dma_wait3A_130 : memref<1x64xi32, #tpu.memory_space<vmem>> -> memref<64xi32, #tpu.memory_space<vmem>>
        %dma_wait3A_132 = arith.constant 0 : i32
        %dma_wait3A_133 = arith.constant 0 : i32
        %dma_wait3A_134 = tpu.memref_slice %arg2[%dma_wait3A_132, %dma_wait3A_133] : memref<10240x128xf32, #tpu.memory_space<hbm>> -> memref<10240x128xf32, #tpu.memory_space<hbm>>
        %dma_wait3A_135 = tpu.memref_slice %arg13[%dma_wait3A_128] : memref<4x!tpu.dma_semaphore, #tpu.memory_space<semaphore_mem>> -> memref<1x!tpu.dma_semaphore, #tpu.memory_space<semaphore_mem>>
        %dma_wait3A_136 = tpu.memref_squeeze %dma_wait3A_135 : memref<1x!tpu.dma_semaphore, #tpu.memory_space<semaphore_mem>> -> memref<!tpu.dma_semaphore, #tpu.memory_space<semaphore_mem>>
        tpu.wait_indirect_dma semaphore(%dma_wait3A_136 : memref<!tpu.dma_semaphore, #tpu.memory_space<semaphore_mem>>) src(%dma_wait3A_134 : memref<10240x128xf32, #tpu.memory_space<hbm>>) dst(%arg10 : memref<64x128xf32, #tpu.memory_space<vmem>>)
        %add3A_137 = arith.constant 2 : i32
        %add3A_138 = arith.addi %add3A_39, %add3A_137 : i32
        %dma_start3A_139 = arith.constant 2 : i32
        %dma_start3A_140 = arith.constant 0 : i32
        %dma_start3A_141 = tpu.memref_slice %arg7[%add3A_138, %dma_start3A_140] : memref<40x64xi32, #tpu.memory_space<vmem>> -> memref<1x64xi32, #tpu.memory_space<vmem>>
        %dma_start3A_142 = tpu.memref_squeeze %dma_start3A_141 : memref<1x64xi32, #tpu.memory_space<vmem>> -> memref<64xi32, #tpu.memory_space<vmem>>
        %dma_start3A_143 = arith.constant 0 : i32
        %dma_start3A_144 = arith.constant 0 : i32
        %dma_start3A_145 = tpu.memref_slice %arg12[%dma_start3A_143, %dma_start3A_144] : memref<10240x128xf32, #tpu.memory_space<vmem_shared>> -> memref<10240x128xf32, #tpu.memory_space<vmem_shared>>
        %dma_start3A_146 = tpu.memref_slice %arg14[%dma_start3A_139] : memref<4x!tpu.dma_semaphore, #tpu.memory_space<semaphore_mem>> -> memref<1x!tpu.dma_semaphore, #tpu.memory_space<semaphore_mem>>
        %dma_start3A_147 = tpu.memref_squeeze %dma_start3A_146 : memref<1x!tpu.dma_semaphore, #tpu.memory_space<semaphore_mem>> -> memref<!tpu.dma_semaphore, #tpu.memory_space<semaphore_mem>>
        tpu.enqueue_indirect_dma source(%arg10 : memref<64x128xf32, #tpu.memory_space<vmem>>) target(%dma_start3A_145 : memref<10240x128xf32, #tpu.memory_space<vmem_shared>>) offsets(%dma_start3A_142 : memref<64xi32, #tpu.memory_space<vmem>>) semaphore(%dma_start3A_147 : memref<!tpu.dma_semaphore, #tpu.memory_space<semaphore_mem>>) {add = true}
        %add3A_148 = arith.constant 3 : i32
        %add3A_149 = arith.addi %add3A_39, %add3A_148 : i32
        %dma_wait3A_150 = arith.constant 3 : i32
        %dma_wait3A_151 = arith.constant 0 : i32
        %dma_wait3A_152 = tpu.memref_slice %arg6[%add3A_149, %dma_wait3A_151] : memref<40x64xi32, #tpu.memory_space<vmem>> -> memref<1x64xi32, #tpu.memory_space<vmem>>
        %dma_wait3A_153 = tpu.memref_squeeze %dma_wait3A_152 : memref<1x64xi32, #tpu.memory_space<vmem>> -> memref<64xi32, #tpu.memory_space<vmem>>
        %dma_wait3A_154 = arith.constant 0 : i32
        %dma_wait3A_155 = arith.constant 0 : i32
        %dma_wait3A_156 = tpu.memref_slice %arg2[%dma_wait3A_154, %dma_wait3A_155] : memref<10240x128xf32, #tpu.memory_space<hbm>> -> memref<10240x128xf32, #tpu.memory_space<hbm>>
        %dma_wait3A_157 = tpu.memref_slice %arg13[%dma_wait3A_150] : memref<4x!tpu.dma_semaphore, #tpu.memory_space<semaphore_mem>> -> memref<1x!tpu.dma_semaphore, #tpu.memory_space<semaphore_mem>>
        %dma_wait3A_158 = tpu.memref_squeeze %dma_wait3A_157 : memref<1x!tpu.dma_semaphore, #tpu.memory_space<semaphore_mem>> -> memref<!tpu.dma_semaphore, #tpu.memory_space<semaphore_mem>>
        tpu.wait_indirect_dma semaphore(%dma_wait3A_158 : memref<!tpu.dma_semaphore, #tpu.memory_space<semaphore_mem>>) src(%dma_wait3A_156 : memref<10240x128xf32, #tpu.memory_space<hbm>>) dst(%arg11 : memref<64x128xf32, #tpu.memory_space<vmem>>)
        %add3A_159 = arith.constant 3 : i32
        %add3A_160 = arith.addi %add3A_39, %add3A_159 : i32
        %dma_start3A_161 = arith.constant 3 : i32
        %dma_start3A_162 = arith.constant 0 : i32
        %dma_start3A_163 = tpu.memref_slice %arg7[%add3A_160, %dma_start3A_162] : memref<40x64xi32, #tpu.memory_space<vmem>> -> memref<1x64xi32, #tpu.memory_space<vmem>>
        %dma_start3A_164 = tpu.memref_squeeze %dma_start3A_163 : memref<1x64xi32, #tpu.memory_space<vmem>> -> memref<64xi32, #tpu.memory_space<vmem>>
        %dma_start3A_165 = arith.constant 0 : i32
        %dma_start3A_166 = arith.constant 0 : i32
        %dma_start3A_167 = tpu.memref_slice %arg12[%dma_start3A_165, %dma_start3A_166] : memref<10240x128xf32, #tpu.memory_space<vmem_shared>> -> memref<10240x128xf32, #tpu.memory_space<vmem_shared>>
        %dma_start3A_168 = tpu.memref_slice %arg14[%dma_start3A_161] : memref<4x!tpu.dma_semaphore, #tpu.memory_space<semaphore_mem>> -> memref<1x!tpu.dma_semaphore, #tpu.memory_space<semaphore_mem>>
        %dma_start3A_169 = tpu.memref_squeeze %dma_start3A_168 : memref<1x!tpu.dma_semaphore, #tpu.memory_space<semaphore_mem>> -> memref<!tpu.dma_semaphore, #tpu.memory_space<semaphore_mem>>
        tpu.enqueue_indirect_dma source(%arg11 : memref<64x128xf32, #tpu.memory_space<vmem>>) target(%dma_start3A_167 : memref<10240x128xf32, #tpu.memory_space<vmem_shared>>) offsets(%dma_start3A_164 : memref<64xi32, #tpu.memory_space<vmem>>) semaphore(%dma_start3A_169 : memref<!tpu.dma_semaphore, #tpu.memory_space<semaphore_mem>>) {add = true}
        %add3A_170 = arith.constant 0 : i32
        %add3A_171 = arith.addi %add3A_39, %add3A_170 : i32
        %dma_wait3A_172 = arith.constant 0 : i32
        %dma_wait3A_173 = arith.constant 0 : i32
        %dma_wait3A_174 = tpu.memref_slice %arg7[%add3A_171, %dma_wait3A_173] : memref<40x64xi32, #tpu.memory_space<vmem>> -> memref<1x64xi32, #tpu.memory_space<vmem>>
        %dma_wait3A_175 = tpu.memref_squeeze %dma_wait3A_174 : memref<1x64xi32, #tpu.memory_space<vmem>> -> memref<64xi32, #tpu.memory_space<vmem>>
        %dma_wait3A_176 = arith.constant 0 : i32
        %dma_wait3A_177 = arith.constant 0 : i32
        %dma_wait3A_178 = tpu.memref_slice %arg12[%dma_wait3A_176, %dma_wait3A_177] : memref<10240x128xf32, #tpu.memory_space<vmem_shared>> -> memref<10240x128xf32, #tpu.memory_space<vmem_shared>>
        %dma_wait3A_179 = tpu.memref_slice %arg14[%dma_wait3A_172] : memref<4x!tpu.dma_semaphore, #tpu.memory_space<semaphore_mem>> -> memref<1x!tpu.dma_semaphore, #tpu.memory_space<semaphore_mem>>
        %dma_wait3A_180 = tpu.memref_squeeze %dma_wait3A_179 : memref<1x!tpu.dma_semaphore, #tpu.memory_space<semaphore_mem>> -> memref<!tpu.dma_semaphore, #tpu.memory_space<semaphore_mem>>
        tpu.wait_indirect_dma semaphore(%dma_wait3A_180 : memref<!tpu.dma_semaphore, #tpu.memory_space<semaphore_mem>>) src(%arg8 : memref<64x128xf32, #tpu.memory_space<vmem>>) dst(%dma_wait3A_178 : memref<10240x128xf32, #tpu.memory_space<vmem_shared>>)
        %add3A_181 = arith.constant 1 : i32
        %add3A_182 = arith.addi %add3A_39, %add3A_181 : i32
        %dma_wait3A_183 = arith.constant 1 : i32
        %dma_wait3A_184 = arith.constant 0 : i32
        %dma_wait3A_185 = tpu.memref_slice %arg7[%add3A_182, %dma_wait3A_184] : memref<40x64xi32, #tpu.memory_space<vmem>> -> memref<1x64xi32, #tpu.memory_space<vmem>>
        %dma_wait3A_186 = tpu.memref_squeeze %dma_wait3A_185 : memref<1x64xi32, #tpu.memory_space<vmem>> -> memref<64xi32, #tpu.memory_space<vmem>>
        %dma_wait3A_187 = arith.constant 0 : i32
        %dma_wait3A_188 = arith.constant 0 : i32
        %dma_wait3A_189 = tpu.memref_slice %arg12[%dma_wait3A_187, %dma_wait3A_188] : memref<10240x128xf32, #tpu.memory_space<vmem_shared>> -> memref<10240x128xf32, #tpu.memory_space<vmem_shared>>
        %dma_wait3A_190 = tpu.memref_slice %arg14[%dma_wait3A_183] : memref<4x!tpu.dma_semaphore, #tpu.memory_space<semaphore_mem>> -> memref<1x!tpu.dma_semaphore, #tpu.memory_space<semaphore_mem>>
        %dma_wait3A_191 = tpu.memref_squeeze %dma_wait3A_190 : memref<1x!tpu.dma_semaphore, #tpu.memory_space<semaphore_mem>> -> memref<!tpu.dma_semaphore, #tpu.memory_space<semaphore_mem>>
        tpu.wait_indirect_dma semaphore(%dma_wait3A_191 : memref<!tpu.dma_semaphore, #tpu.memory_space<semaphore_mem>>) src(%arg9 : memref<64x128xf32, #tpu.memory_space<vmem>>) dst(%dma_wait3A_189 : memref<10240x128xf32, #tpu.memory_space<vmem_shared>>)
        %add3A_192 = arith.constant 2 : i32
        %add3A_193 = arith.addi %add3A_39, %add3A_192 : i32
        %dma_wait3A_194 = arith.constant 2 : i32
        %dma_wait3A_195 = arith.constant 0 : i32
        %dma_wait3A_196 = tpu.memref_slice %arg7[%add3A_193, %dma_wait3A_195] : memref<40x64xi32, #tpu.memory_space<vmem>> -> memref<1x64xi32, #tpu.memory_space<vmem>>
        %dma_wait3A_197 = tpu.memref_squeeze %dma_wait3A_196 : memref<1x64xi32, #tpu.memory_space<vmem>> -> memref<64xi32, #tpu.memory_space<vmem>>
        %dma_wait3A_198 = arith.constant 0 : i32
        %dma_wait3A_199 = arith.constant 0 : i32
        %dma_wait3A_200 = tpu.memref_slice %arg12[%dma_wait3A_198, %dma_wait3A_199] : memref<10240x128xf32, #tpu.memory_space<vmem_shared>> -> memref<10240x128xf32, #tpu.memory_space<vmem_shared>>
        %dma_wait3A_201 = tpu.memref_slice %arg14[%dma_wait3A_194] : memref<4x!tpu.dma_semaphore, #tpu.memory_space<semaphore_mem>> -> memref<1x!tpu.dma_semaphore, #tpu.memory_space<semaphore_mem>>
        %dma_wait3A_202 = tpu.memref_squeeze %dma_wait3A_201 : memref<1x!tpu.dma_semaphore, #tpu.memory_space<semaphore_mem>> -> memref<!tpu.dma_semaphore, #tpu.memory_space<semaphore_mem>>
        tpu.wait_indirect_dma semaphore(%dma_wait3A_202 : memref<!tpu.dma_semaphore, #tpu.memory_space<semaphore_mem>>) src(%arg10 : memref<64x128xf32, #tpu.memory_space<vmem>>) dst(%dma_wait3A_200 : memref<10240x128xf32, #tpu.memory_space<vmem_shared>>)
        %add3A_203 = arith.constant 3 : i32
        %add3A_204 = arith.addi %add3A_39, %add3A_203 : i32
        %dma_wait3A_205 = arith.constant 3 : i32
        %dma_wait3A_206 = arith.constant 0 : i32
        %dma_wait3A_207 = tpu.memref_slice %arg7[%add3A_204, %dma_wait3A_206] : memref<40x64xi32, #tpu.memory_space<vmem>> -> memref<1x64xi32, #tpu.memory_space<vmem>>
        %dma_wait3A_208 = tpu.memref_squeeze %dma_wait3A_207 : memref<1x64xi32, #tpu.memory_space<vmem>> -> memref<64xi32, #tpu.memory_space<vmem>>
        %dma_wait3A_209 = arith.constant 0 : i32
        %dma_wait3A_210 = arith.constant 0 : i32
        %dma_wait3A_211 = tpu.memref_slice %arg12[%dma_wait3A_209, %dma_wait3A_210] : memref<10240x128xf32, #tpu.memory_space<vmem_shared>> -> memref<10240x128xf32, #tpu.memory_space<vmem_shared>>
        %dma_wait3A_212 = tpu.memref_slice %arg14[%dma_wait3A_205] : memref<4x!tpu.dma_semaphore, #tpu.memory_space<semaphore_mem>> -> memref<1x!tpu.dma_semaphore, #tpu.memory_space<semaphore_mem>>
        %dma_wait3A_213 = tpu.memref_squeeze %dma_wait3A_212 : memref<1x!tpu.dma_semaphore, #tpu.memory_space<semaphore_mem>> -> memref<!tpu.dma_semaphore, #tpu.memory_space<semaphore_mem>>
        tpu.wait_indirect_dma semaphore(%dma_wait3A_213 : memref<!tpu.dma_semaphore, #tpu.memory_space<semaphore_mem>>) src(%arg11 : memref<64x128xf32, #tpu.memory_space<vmem>>) dst(%dma_wait3A_211 : memref<10240x128xf32, #tpu.memory_space<vmem_shared>>)
      }
      %scan3A_34 = arith.constant 10 : i32
    }
    %scan3A_15 = arith.constant 4 : i32
    %barrier3A_16 = arith.constant 0 : index
    tpu.barrier barrier_id(%barrier3A_16)
    %mul3A_17 = arith.constant 640 : i32
    %mul3A_18 = arith.muli %arg1, %mul3A_17 : i32
    %mul3A_19 = arith.constant 640 : i32
    %mul3A_20 = arith.muli %arg1, %mul3A_19 : i32
    "tpu.region"() ({
      %run_scoped3A = tpu.sem_alloc : memref<!tpu.dma_semaphore, #tpu.memory_space<semaphore_mem>>
      %dma_start3A = arith.constant 0 : i32
      %dma_start3A_21 = arith.constant 0 : i32
      %dma_start3A_22 = tpu.memref_slice %arg5[%arg0, %dma_start3A, %dma_start3A_21] : memref<2x10240x128xf32, #tpu.memory_space<hbm>> -> memref<1x10240x128xf32, #tpu.memory_space<hbm>>
      %dma_start3A_23 = tpu.memref_squeeze %dma_start3A_22 : memref<1x10240x128xf32, #tpu.memory_space<hbm>> -> memref<10240x128xf32, #tpu.memory_space<hbm>>
      %dma_start3A_24 = arith.constant 0 : i32
      %dma_start3A_25 = tpu.memref_slice %dma_start3A_23[%mul3A_20, %dma_start3A_24] : memref<10240x128xf32, #tpu.memory_space<hbm>> -> memref<640x128xf32, #tpu.memory_space<hbm>>
      %dma_start3A_26 = arith.constant 0 : i32
      %dma_start3A_27 = tpu.memref_slice %arg12[%mul3A_18, %dma_start3A_26] : memref<10240x128xf32, #tpu.memory_space<vmem_shared>> -> memref<640x128xf32, #tpu.memory_space<vmem_shared>>
      tpu.enqueue_dma source(%dma_start3A_27 : memref<640x128xf32, #tpu.memory_space<vmem_shared>>) target(%dma_start3A_25 : memref<640x128xf32, #tpu.memory_space<hbm>>) target_semaphore(%run_scoped3A : memref<!tpu.dma_semaphore, #tpu.memory_space<semaphore_mem>>)
      %dma_wait3A = arith.constant 0 : i32
      %dma_wait3A_28 = arith.constant 0 : i32
      %dma_wait3A_29 = tpu.memref_slice %arg5[%arg0, %dma_wait3A, %dma_wait3A_28] : memref<2x10240x128xf32, #tpu.memory_space<hbm>> -> memref<1x10240x128xf32, #tpu.memory_space<hbm>>
      %dma_wait3A_30 = tpu.memref_squeeze %dma_wait3A_29 : memref<1x10240x128xf32, #tpu.memory_space<hbm>> -> memref<10240x128xf32, #tpu.memory_space<hbm>>
      %dma_wait3A_31 = arith.constant 0 : i32
      %dma_wait3A_32 = tpu.memref_slice %dma_wait3A_30[%mul3A_20, %dma_wait3A_31] : memref<10240x128xf32, #tpu.memory_space<hbm>> -> memref<640x128xf32, #tpu.memory_space<hbm>>
      %dma_wait3A_33 = arith.constant 0 : i32
      %dma_wait3A_34 = tpu.memref_slice %arg12[%mul3A_18, %dma_wait3A_33] : memref<10240x128xf32, #tpu.memory_space<vmem_shared>> -> memref<640x128xf32, #tpu.memory_space<vmem_shared>>
      tpu.wait_dma2 semaphore(%run_scoped3A : memref<!tpu.dma_semaphore, #tpu.memory_space<semaphore_mem>>) src(%dma_wait3A_34 : memref<640x128xf32, #tpu.memory_space<vmem_shared>>) dst(%dma_wait3A_32 : memref<640x128xf32, #tpu.memory_space<hbm>>)
      tpu.yield
    }) : () -> ()
    return
  }
}

#map = affine_map<(d0, d1) -> (0, 0)>
#map1 = affine_map<(d0, d1) -> (0, 0, 0)>
module attributes {stable_mosaic.version = 14 : i64} {
  func.func @_agg(%arg0: i32, %arg1: i32, %arg2: memref<10240x128xf32, #tpu.memory_space<hbm>>, %arg3: memref<32x160x64xi32, #tpu.memory_space<hbm>>, %arg4: memref<32x160x64xi32, #tpu.memory_space<hbm>>, %arg5: memref<2x10240x128xf32, #tpu.memory_space<hbm>>, %arg6: memref<40x64xi32, #tpu.memory_space<vmem>>, %arg7: memref<40x64xi32, #tpu.memory_space<vmem>>, %arg8: memref<64x128xf32, #tpu.memory_space<vmem>>, %arg9: memref<64x128xf32, #tpu.memory_space<vmem>>, %arg10: memref<64x128xf32, #tpu.memory_space<vmem>>, %arg11: memref<64x128xf32, #tpu.memory_space<vmem>>, %arg12: memref<10240x128xf32, #tpu.memory_space<vmem_shared>>, %arg13: memref<4x!tpu.dma_semaphore, #tpu.memory_space<semaphore_mem>>, %arg14: memref<4x!tpu.dma_semaphore, #tpu.memory_space<semaphore_mem>>) attributes {dimension_semantics = [#tpu.dimension_semantics<core_parallel>, #tpu.dimension_semantics<subcore_parallel>], iteration_bounds = array<i64: 2, 16>, scalar_prefetch = 0 : i64, scratch_operands = 9 : i64, tpu.core_type = #tpu.core_type<sc_vector_subcore>, window_params = [{transform_indices = #map}, {transform_indices = #map1}, {transform_indices = #map1}, {transform_indices = #map1}]} {
    %mul3A = arith.constant 2 : i32
    %mul3A_0 = arith.muli %arg1, %mul3A : i32
    %add3A = arith.addi %mul3A_0, %arg0 : i32
    %broadcast_in_dim3A = arith.constant 0.000000e+00 : f32
    %broadcast_in_dim3A_1 = vector.broadcast %broadcast_in_dim3A : f32 to vector<16xf32>
    %scan3A = arith.constant 0 : i32
    %scan3A_2 = arith.constant 64 : i32
    %scan3A_3 = arith.addi %scan3A, %scan3A_2 : i32
    %scan3A_4 = arith.constant 1 : i32
    scf.for %scan3A_21 = %scan3A to %scan3A_3 step %scan3A_4  : i32 {
      %mul3A_22 = arith.constant 1 : i32
      %mul3A_23 = arith.muli %scan3A_21, %mul3A_22 : i32
      %add3A_24 = arith.constant 0 : i32
      %add3A_25 = arith.addi %add3A_24, %mul3A_23 : i32
      %scan3A_26 = arith.constant 0 : i32
      %scan3A_27 = arith.constant 8 : i32
      %scan3A_28 = arith.addi %scan3A_26, %scan3A_27 : i32
      %scan3A_29 = arith.constant 1 : i32
      scf.for %scan3A_31 = %scan3A_26 to %scan3A_28 step %scan3A_29  : i32 {
        %mul3A_32 = arith.constant 16 : i32
        %mul3A_33 = arith.muli %scan3A_31, %mul3A_32 : i32
        %add3A_34 = arith.constant 0 : i32
        %add3A_35 = arith.addi %add3A_34, %mul3A_33 : i32
        %swap3A = arith.index_cast %add3A_25 : i32 to index
        %swap3A_36 = arith.index_cast %add3A_35 : i32 to index
        %swap3A_37 = tpu.vector_load %arg8[%swap3A, %swap3A_36] {strides = array<i32>} : memref<64x128xf32, #tpu.memory_space<vmem>>, vector<16xf32>,
        tpu.vector_store %arg8[%swap3A, %swap3A_36], %broadcast_in_dim3A_1 {strides = array<i32>} : memref<64x128xf32, #tpu.memory_space<vmem>>, vector<16xf32>,
      }
      %scan3A_30 = arith.constant 8 : i32
    }
    %scan3A_5 = arith.constant 64 : i32
    %scan3A_6 = arith.constant 0 : i32
    %scan3A_7 = arith.constant 10 : i32
    %scan3A_8 = arith.addi %scan3A_6, %scan3A_7 : i32
    %scan3A_9 = arith.constant 1 : i32
    scf.for %scan3A_21 = %scan3A_6 to %scan3A_8 step %scan3A_9  : i32 {
      %mul3A_22 = arith.constant 64 : i32
      %mul3A_23 = arith.muli %scan3A_21, %mul3A_22 : i32
      %add3A_24 = arith.constant 0 : i32
      %add3A_25 = arith.addi %add3A_24, %mul3A_23 : i32
      %mul3A_26 = arith.constant 640 : i32
      %mul3A_27 = arith.muli %arg1, %mul3A_26 : i32
      %add3A_28 = arith.addi %mul3A_27, %add3A_25 : i32
      "tpu.region"() ({
        %run_scoped3A = tpu.sem_alloc : memref<!tpu.dma_semaphore, #tpu.memory_space<semaphore_mem>>
        %dma_start3A = arith.constant 0 : i32
        %dma_start3A_29 = tpu.memref_slice %arg12[%add3A_28, %dma_start3A] : memref<10240x128xf32, #tpu.memory_space<vmem_shared>> -> memref<64x128xf32, #tpu.memory_space<vmem_shared>>
        %dma_start3A_30 = arith.constant 0 : i32
        %dma_start3A_31 = tpu.memref_slice %arg12[%add3A_28, %dma_start3A_30] : memref<10240x128xf32, #tpu.memory_space<vmem_shared>> -> memref<64x128xf32, #tpu.memory_space<vmem_shared>>
        tpu.enqueue_dma source(%arg8 : memref<64x128xf32, #tpu.memory_space<vmem>>) target(%dma_start3A_31 : memref<64x128xf32, #tpu.memory_space<vmem_shared>>) target_semaphore(%run_scoped3A : memref<!tpu.dma_semaphore, #tpu.memory_space<semaphore_mem>>)
        %dma_wait3A = arith.constant 0 : i32
        %dma_wait3A_32 = tpu.memref_slice %arg12[%add3A_28, %dma_wait3A] : memref<10240x128xf32, #tpu.memory_space<vmem_shared>> -> memref<64x128xf32, #tpu.memory_space<vmem_shared>>
        %dma_wait3A_33 = arith.constant 0 : i32
        %dma_wait3A_34 = tpu.memref_slice %arg12[%add3A_28, %dma_wait3A_33] : memref<10240x128xf32, #tpu.memory_space<vmem_shared>> -> memref<64x128xf32, #tpu.memory_space<vmem_shared>>
        tpu.wait_dma2 semaphore(%run_scoped3A : memref<!tpu.dma_semaphore, #tpu.memory_space<semaphore_mem>>) src(%arg8 : memref<64x128xf32, #tpu.memory_space<vmem>>) dst(%dma_wait3A_34 : memref<64x128xf32, #tpu.memory_space<vmem_shared>>)
        tpu.yield
      }) : () -> ()
    }
    %scan3A_10 = arith.constant 10 : i32
    %barrier3A = arith.constant 0 : index
    tpu.barrier barrier_id(%barrier3A)
    %scan3A_11 = arith.constant 0 : i32
    %scan3A_12 = arith.constant 4 : i32
    %scan3A_13 = arith.addi %scan3A_11, %scan3A_12 : i32
    %scan3A_14 = arith.constant 1 : i32
    scf.for %scan3A_21 = %scan3A_11 to %scan3A_13 step %scan3A_14  : i32 {
      %mul3A_22 = arith.constant 1 : i32
      %mul3A_23 = arith.muli %scan3A_21, %mul3A_22 : i32
      %add3A_24 = arith.constant 0 : i32
      %add3A_25 = arith.addi %add3A_24, %mul3A_23 : i32
      %mul3A_26 = arith.constant 40 : i32
      %mul3A_27 = arith.muli %add3A_25, %mul3A_26 : i32
      "tpu.region"() ({
        %run_scoped3A = tpu.sem_alloc : memref<!tpu.dma_semaphore, #tpu.memory_space<semaphore_mem>>
        %dma_start3A = arith.constant 0 : i32
        %dma_start3A_35 = arith.constant 0 : i32
        %dma_start3A_36 = tpu.memref_slice %arg3[%add3A, %dma_start3A, %dma_start3A_35] : memref<32x160x64xi32, #tpu.memory_space<hbm>> -> memref<1x160x64xi32, #tpu.memory_space<hbm>>
        %dma_start3A_37 = tpu.memref_squeeze %dma_start3A_36 : memref<1x160x64xi32, #tpu.memory_space<hbm>> -> memref<160x64xi32, #tpu.memory_space<hbm>>
        %dma_start3A_38 = arith.constant 0 : i32
        %dma_start3A_39 = tpu.memref_slice %dma_start3A_37[%mul3A_27, %dma_start3A_38] : memref<160x64xi32, #tpu.memory_space<hbm>> -> memref<40x64xi32, #tpu.memory_space<hbm>>
        %dma_start3A_40 = arith.constant 0 : i32
        %dma_start3A_41 = arith.constant 0 : i32
        %dma_start3A_42 = tpu.memref_slice %arg3[%add3A, %dma_start3A_40, %dma_start3A_41] : memref<32x160x64xi32, #tpu.memory_space<hbm>> -> memref<1x160x64xi32, #tpu.memory_space<hbm>>
        %dma_start3A_43 = tpu.memref_squeeze %dma_start3A_42 : memref<1x160x64xi32, #tpu.memory_space<hbm>> -> memref<160x64xi32, #tpu.memory_space<hbm>>
        %dma_start3A_44 = arith.constant 0 : i32
        %dma_start3A_45 = tpu.memref_slice %dma_start3A_43[%mul3A_27, %dma_start3A_44] : memref<160x64xi32, #tpu.memory_space<hbm>> -> memref<40x64xi32, #tpu.memory_space<hbm>>
        tpu.enqueue_dma source(%dma_start3A_45 : memref<40x64xi32, #tpu.memory_space<hbm>>) target(%arg6 : memref<40x64xi32, #tpu.memory_space<vmem>>) target_semaphore(%run_scoped3A : memref<!tpu.dma_semaphore, #tpu.memory_space<semaphore_mem>>)
        %dma_wait3A = arith.constant 0 : i32
        %dma_wait3A_46 = arith.constant 0 : i32
        %dma_wait3A_47 = tpu.memref_slice %arg3[%add3A, %dma_wait3A, %dma_wait3A_46] : memref<32x160x64xi32, #tpu.memory_space<hbm>> -> memref<1x160x64xi32, #tpu.memory_space<hbm>>
        %dma_wait3A_48 = tpu.memref_squeeze %dma_wait3A_47 : memref<1x160x64xi32, #tpu.memory_space<hbm>> -> memref<160x64xi32, #tpu.memory_space<hbm>>
        %dma_wait3A_49 = arith.constant 0 : i32
        %dma_wait3A_50 = tpu.memref_slice %dma_wait3A_48[%mul3A_27, %dma_wait3A_49] : memref<160x64xi32, #tpu.memory_space<hbm>> -> memref<40x64xi32, #tpu.memory_space<hbm>>
        %dma_wait3A_51 = arith.constant 0 : i32
        %dma_wait3A_52 = arith.constant 0 : i32
        %dma_wait3A_53 = tpu.memref_slice %arg3[%add3A, %dma_wait3A_51, %dma_wait3A_52] : memref<32x160x64xi32, #tpu.memory_space<hbm>> -> memref<1x160x64xi32, #tpu.memory_space<hbm>>
        %dma_wait3A_54 = tpu.memref_squeeze %dma_wait3A_53 : memref<1x160x64xi32, #tpu.memory_space<hbm>> -> memref<160x64xi32, #tpu.memory_space<hbm>>
        %dma_wait3A_55 = arith.constant 0 : i32
        %dma_wait3A_56 = tpu.memref_slice %dma_wait3A_54[%mul3A_27, %dma_wait3A_55] : memref<160x64xi32, #tpu.memory_space<hbm>> -> memref<40x64xi32, #tpu.memory_space<hbm>>
        tpu.wait_dma2 semaphore(%run_scoped3A : memref<!tpu.dma_semaphore, #tpu.memory_space<semaphore_mem>>) src(%dma_wait3A_56 : memref<40x64xi32, #tpu.memory_space<hbm>>) dst(%arg6 : memref<40x64xi32, #tpu.memory_space<vmem>>)
        tpu.yield
      }) : () -> ()
      %mul3A_28 = arith.constant 40 : i32
      %mul3A_29 = arith.muli %add3A_25, %mul3A_28 : i32
      "tpu.region"() ({
        %run_scoped3A = tpu.sem_alloc : memref<!tpu.dma_semaphore, #tpu.memory_space<semaphore_mem>>
        %dma_start3A = arith.constant 0 : i32
        %dma_start3A_35 = arith.constant 0 : i32
        %dma_start3A_36 = tpu.memref_slice %arg4[%add3A, %dma_start3A, %dma_start3A_35] : memref<32x160x64xi32, #tpu.memory_space<hbm>> -> memref<1x160x64xi32, #tpu.memory_space<hbm>>
        %dma_start3A_37 = tpu.memref_squeeze %dma_start3A_36 : memref<1x160x64xi32, #tpu.memory_space<hbm>> -> memref<160x64xi32, #tpu.memory_space<hbm>>
        %dma_start3A_38 = arith.constant 0 : i32
        %dma_start3A_39 = tpu.memref_slice %dma_start3A_37[%mul3A_29, %dma_start3A_38] : memref<160x64xi32, #tpu.memory_space<hbm>> -> memref<40x64xi32, #tpu.memory_space<hbm>>
        %dma_start3A_40 = arith.constant 0 : i32
        %dma_start3A_41 = arith.constant 0 : i32
        %dma_start3A_42 = tpu.memref_slice %arg4[%add3A, %dma_start3A_40, %dma_start3A_41] : memref<32x160x64xi32, #tpu.memory_space<hbm>> -> memref<1x160x64xi32, #tpu.memory_space<hbm>>
        %dma_start3A_43 = tpu.memref_squeeze %dma_start3A_42 : memref<1x160x64xi32, #tpu.memory_space<hbm>> -> memref<160x64xi32, #tpu.memory_space<hbm>>
        %dma_start3A_44 = arith.constant 0 : i32
        %dma_start3A_45 = tpu.memref_slice %dma_start3A_43[%mul3A_29, %dma_start3A_44] : memref<160x64xi32, #tpu.memory_space<hbm>> -> memref<40x64xi32, #tpu.memory_space<hbm>>
        tpu.enqueue_dma source(%dma_start3A_45 : memref<40x64xi32, #tpu.memory_space<hbm>>) target(%arg7 : memref<40x64xi32, #tpu.memory_space<vmem>>) target_semaphore(%run_scoped3A : memref<!tpu.dma_semaphore, #tpu.memory_space<semaphore_mem>>)
        %dma_wait3A = arith.constant 0 : i32
        %dma_wait3A_46 = arith.constant 0 : i32
        %dma_wait3A_47 = tpu.memref_slice %arg4[%add3A, %dma_wait3A, %dma_wait3A_46] : memref<32x160x64xi32, #tpu.memory_space<hbm>> -> memref<1x160x64xi32, #tpu.memory_space<hbm>>
        %dma_wait3A_48 = tpu.memref_squeeze %dma_wait3A_47 : memref<1x160x64xi32, #tpu.memory_space<hbm>> -> memref<160x64xi32, #tpu.memory_space<hbm>>
        %dma_wait3A_49 = arith.constant 0 : i32
        %dma_wait3A_50 = tpu.memref_slice %dma_wait3A_48[%mul3A_29, %dma_wait3A_49] : memref<160x64xi32, #tpu.memory_space<hbm>> -> memref<40x64xi32, #tpu.memory_space<hbm>>
        %dma_wait3A_51 = arith.constant 0 : i32
        %dma_wait3A_52 = arith.constant 0 : i32
        %dma_wait3A_53 = tpu.memref_slice %arg4[%add3A, %dma_wait3A_51, %dma_wait3A_52] : memref<32x160x64xi32, #tpu.memory_space<hbm>> -> memref<1x160x64xi32, #tpu.memory_space<hbm>>
        %dma_wait3A_54 = tpu.memref_squeeze %dma_wait3A_53 : memref<1x160x64xi32, #tpu.memory_space<hbm>> -> memref<160x64xi32, #tpu.memory_space<hbm>>
        %dma_wait3A_55 = arith.constant 0 : i32
        %dma_wait3A_56 = tpu.memref_slice %dma_wait3A_54[%mul3A_29, %dma_wait3A_55] : memref<160x64xi32, #tpu.memory_space<hbm>> -> memref<40x64xi32, #tpu.memory_space<hbm>>
        tpu.wait_dma2 semaphore(%run_scoped3A : memref<!tpu.dma_semaphore, #tpu.memory_space<semaphore_mem>>) src(%dma_wait3A_56 : memref<40x64xi32, #tpu.memory_space<hbm>>) dst(%arg7 : memref<40x64xi32, #tpu.memory_space<vmem>>)
        tpu.yield
      }) : () -> ()
      %scan3A_30 = arith.constant 0 : i32
      %scan3A_31 = arith.constant 10 : i32
      %scan3A_32 = arith.addi %scan3A_30, %scan3A_31 : i32
      %scan3A_33 = arith.constant 1 : i32
      scf.for %scan3A_35 = %scan3A_30 to %scan3A_32 step %scan3A_33  : i32 {
        %mul3A_36 = arith.constant 4 : i32
        %mul3A_37 = arith.muli %scan3A_35, %mul3A_36 : i32
        %add3A_38 = arith.constant 0 : i32
        %add3A_39 = arith.addi %add3A_38, %mul3A_37 : i32
        %add3A_40 = arith.constant 0 : i32
        %add3A_41 = arith.addi %add3A_39, %add3A_40 : i32
        %dma_start3A = arith.constant 0 : i32
        %dma_start3A_42 = arith.constant 0 : i32
        %dma_start3A_43 = tpu.memref_slice %arg6[%add3A_41, %dma_start3A_42] : memref<40x64xi32, #tpu.memory_space<vmem>> -> memref<1x64xi32, #tpu.memory_space<vmem>>
        %dma_start3A_44 = tpu.memref_squeeze %dma_start3A_43 : memref<1x64xi32, #tpu.memory_space<vmem>> -> memref<64xi32, #tpu.memory_space<vmem>>
        %dma_start3A_45 = arith.constant 0 : i32
        %dma_start3A_46 = arith.constant 0 : i32
        %dma_start3A_47 = tpu.memref_slice %arg2[%dma_start3A_45, %dma_start3A_46] : memref<10240x128xf32, #tpu.memory_space<hbm>> -> memref<10240x128xf32, #tpu.memory_space<hbm>>
        %dma_start3A_48 = tpu.memref_slice %arg13[%dma_start3A] : memref<4x!tpu.dma_semaphore, #tpu.memory_space<semaphore_mem>> -> memref<1x!tpu.dma_semaphore, #tpu.memory_space<semaphore_mem>>
        %dma_start3A_49 = tpu.memref_squeeze %dma_start3A_48 : memref<1x!tpu.dma_semaphore, #tpu.memory_space<semaphore_mem>> -> memref<!tpu.dma_semaphore, #tpu.memory_space<semaphore_mem>>
        tpu.enqueue_indirect_dma source(%dma_start3A_47 : memref<10240x128xf32, #tpu.memory_space<hbm>>) target(%arg8 : memref<64x128xf32, #tpu.memory_space<vmem>>) offsets(%dma_start3A_44 : memref<64xi32, #tpu.memory_space<vmem>>) semaphore(%dma_start3A_49 : memref<!tpu.dma_semaphore, #tpu.memory_space<semaphore_mem>>)
        %add3A_50 = arith.constant 1 : i32
        %add3A_51 = arith.addi %add3A_39, %add3A_50 : i32
        %dma_start3A_52 = arith.constant 1 : i32
        %dma_start3A_53 = arith.constant 0 : i32
        %dma_start3A_54 = tpu.memref_slice %arg6[%add3A_51, %dma_start3A_53] : memref<40x64xi32, #tpu.memory_space<vmem>> -> memref<1x64xi32, #tpu.memory_space<vmem>>
        %dma_start3A_55 = tpu.memref_squeeze %dma_start3A_54 : memref<1x64xi32, #tpu.memory_space<vmem>> -> memref<64xi32, #tpu.memory_space<vmem>>
        %dma_start3A_56 = arith.constant 0 : i32
        %dma_start3A_57 = arith.constant 0 : i32
        %dma_start3A_58 = tpu.memref_slice %arg2[%dma_start3A_56, %dma_start3A_57] : memref<10240x128xf32, #tpu.memory_space<hbm>> -> memref<10240x128xf32, #tpu.memory_space<hbm>>
        %dma_start3A_59 = tpu.memref_slice %arg13[%dma_start3A_52] : memref<4x!tpu.dma_semaphore, #tpu.memory_space<semaphore_mem>> -> memref<1x!tpu.dma_semaphore, #tpu.memory_space<semaphore_mem>>
        %dma_start3A_60 = tpu.memref_squeeze %dma_start3A_59 : memref<1x!tpu.dma_semaphore, #tpu.memory_space<semaphore_mem>> -> memref<!tpu.dma_semaphore, #tpu.memory_space<semaphore_mem>>
        tpu.enqueue_indirect_dma source(%dma_start3A_58 : memref<10240x128xf32, #tpu.memory_space<hbm>>) target(%arg9 : memref<64x128xf32, #tpu.memory_space<vmem>>) offsets(%dma_start3A_55 : memref<64xi32, #tpu.memory_space<vmem>>) semaphore(%dma_start3A_60 : memref<!tpu.dma_semaphore, #tpu.memory_space<semaphore_mem>>)
        %add3A_61 = arith.constant 2 : i32
        %add3A_62 = arith.addi %add3A_39, %add3A_61 : i32
        %dma_start3A_63 = arith.constant 2 : i32
        %dma_start3A_64 = arith.constant 0 : i32
        %dma_start3A_65 = tpu.memref_slice %arg6[%add3A_62, %dma_start3A_64] : memref<40x64xi32, #tpu.memory_space<vmem>> -> memref<1x64xi32, #tpu.memory_space<vmem>>
        %dma_start3A_66 = tpu.memref_squeeze %dma_start3A_65 : memref<1x64xi32, #tpu.memory_space<vmem>> -> memref<64xi32, #tpu.memory_space<vmem>>
        %dma_start3A_67 = arith.constant 0 : i32
        %dma_start3A_68 = arith.constant 0 : i32
        %dma_start3A_69 = tpu.memref_slice %arg2[%dma_start3A_67, %dma_start3A_68] : memref<10240x128xf32, #tpu.memory_space<hbm>> -> memref<10240x128xf32, #tpu.memory_space<hbm>>
        %dma_start3A_70 = tpu.memref_slice %arg13[%dma_start3A_63] : memref<4x!tpu.dma_semaphore, #tpu.memory_space<semaphore_mem>> -> memref<1x!tpu.dma_semaphore, #tpu.memory_space<semaphore_mem>>
        %dma_start3A_71 = tpu.memref_squeeze %dma_start3A_70 : memref<1x!tpu.dma_semaphore, #tpu.memory_space<semaphore_mem>> -> memref<!tpu.dma_semaphore, #tpu.memory_space<semaphore_mem>>
        tpu.enqueue_indirect_dma source(%dma_start3A_69 : memref<10240x128xf32, #tpu.memory_space<hbm>>) target(%arg10 : memref<64x128xf32, #tpu.memory_space<vmem>>) offsets(%dma_start3A_66 : memref<64xi32, #tpu.memory_space<vmem>>) semaphore(%dma_start3A_71 : memref<!tpu.dma_semaphore, #tpu.memory_space<semaphore_mem>>)
        %add3A_72 = arith.constant 3 : i32
        %add3A_73 = arith.addi %add3A_39, %add3A_72 : i32
        %dma_start3A_74 = arith.constant 3 : i32
        %dma_start3A_75 = arith.constant 0 : i32
        %dma_start3A_76 = tpu.memref_slice %arg6[%add3A_73, %dma_start3A_75] : memref<40x64xi32, #tpu.memory_space<vmem>> -> memref<1x64xi32, #tpu.memory_space<vmem>>
        %dma_start3A_77 = tpu.memref_squeeze %dma_start3A_76 : memref<1x64xi32, #tpu.memory_space<vmem>> -> memref<64xi32, #tpu.memory_space<vmem>>
        %dma_start3A_78 = arith.constant 0 : i32
        %dma_start3A_79 = arith.constant 0 : i32
        %dma_start3A_80 = tpu.memref_slice %arg2[%dma_start3A_78, %dma_start3A_79] : memref<10240x128xf32, #tpu.memory_space<hbm>> -> memref<10240x128xf32, #tpu.memory_space<hbm>>
        %dma_start3A_81 = tpu.memref_slice %arg13[%dma_start3A_74] : memref<4x!tpu.dma_semaphore, #tpu.memory_space<semaphore_mem>> -> memref<1x!tpu.dma_semaphore, #tpu.memory_space<semaphore_mem>>
        %dma_start3A_82 = tpu.memref_squeeze %dma_start3A_81 : memref<1x!tpu.dma_semaphore, #tpu.memory_space<semaphore_mem>> -> memref<!tpu.dma_semaphore, #tpu.memory_space<semaphore_mem>>
        tpu.enqueue_indirect_dma source(%dma_start3A_80 : memref<10240x128xf32, #tpu.memory_space<hbm>>) target(%arg11 : memref<64x128xf32, #tpu.memory_space<vmem>>) offsets(%dma_start3A_77 : memref<64xi32, #tpu.memory_space<vmem>>) semaphore(%dma_start3A_82 : memref<!tpu.dma_semaphore, #tpu.memory_space<semaphore_mem>>)
        %add3A_83 = arith.constant 0 : i32
        %add3A_84 = arith.addi %add3A_39, %add3A_83 : i32
        %dma_wait3A = arith.constant 0 : i32
        %dma_wait3A_85 = arith.constant 0 : i32
        %dma_wait3A_86 = tpu.memref_slice %arg6[%add3A_84, %dma_wait3A_85] : memref<40x64xi32, #tpu.memory_space<vmem>> -> memref<1x64xi32, #tpu.memory_space<vmem>>
        %dma_wait3A_87 = tpu.memref_squeeze %dma_wait3A_86 : memref<1x64xi32, #tpu.memory_space<vmem>> -> memref<64xi32, #tpu.memory_space<vmem>>
        %dma_wait3A_88 = arith.constant 0 : i32
        %dma_wait3A_89 = arith.constant 0 : i32
        %dma_wait3A_90 = tpu.memref_slice %arg2[%dma_wait3A_88, %dma_wait3A_89] : memref<10240x128xf32, #tpu.memory_space<hbm>> -> memref<10240x128xf32, #tpu.memory_space<hbm>>
        %dma_wait3A_91 = tpu.memref_slice %arg13[%dma_wait3A] : memref<4x!tpu.dma_semaphore, #tpu.memory_space<semaphore_mem>> -> memref<1x!tpu.dma_semaphore, #tpu.memory_space<semaphore_mem>>
        %dma_wait3A_92 = tpu.memref_squeeze %dma_wait3A_91 : memref<1x!tpu.dma_semaphore, #tpu.memory_space<semaphore_mem>> -> memref<!tpu.dma_semaphore, #tpu.memory_space<semaphore_mem>>
        tpu.wait_indirect_dma semaphore(%dma_wait3A_92 : memref<!tpu.dma_semaphore, #tpu.memory_space<semaphore_mem>>) src(%dma_wait3A_90 : memref<10240x128xf32, #tpu.memory_space<hbm>>) dst(%arg8 : memref<64x128xf32, #tpu.memory_space<vmem>>)
        %add3A_93 = arith.constant 0 : i32
        %add3A_94 = arith.addi %add3A_39, %add3A_93 : i32
        %dma_start3A_95 = arith.constant 0 : i32
        %dma_start3A_96 = arith.constant 0 : i32
        %dma_start3A_97 = tpu.memref_slice %arg7[%add3A_94, %dma_start3A_96] : memref<40x64xi32, #tpu.memory_space<vmem>> -> memref<1x64xi32, #tpu.memory_space<vmem>>
        %dma_start3A_98 = tpu.memref_squeeze %dma_start3A_97 : memref<1x64xi32, #tpu.memory_space<vmem>> -> memref<64xi32, #tpu.memory_space<vmem>>
        %dma_start3A_99 = arith.constant 0 : i32
        %dma_start3A_100 = arith.constant 0 : i32
        %dma_start3A_101 = tpu.memref_slice %arg12[%dma_start3A_99, %dma_start3A_100] : memref<10240x128xf32, #tpu.memory_space<vmem_shared>> -> memref<10240x128xf32, #tpu.memory_space<vmem_shared>>
        %dma_start3A_102 = tpu.memref_slice %arg14[%dma_start3A_95] : memref<4x!tpu.dma_semaphore, #tpu.memory_space<semaphore_mem>> -> memref<1x!tpu.dma_semaphore, #tpu.memory_space<semaphore_mem>>
        %dma_start3A_103 = tpu.memref_squeeze %dma_start3A_102 : memref<1x!tpu.dma_semaphore, #tpu.memory_space<semaphore_mem>> -> memref<!tpu.dma_semaphore, #tpu.memory_space<semaphore_mem>>
        tpu.enqueue_indirect_dma source(%arg8 : memref<64x128xf32, #tpu.memory_space<vmem>>) target(%dma_start3A_101 : memref<10240x128xf32, #tpu.memory_space<vmem_shared>>) offsets(%dma_start3A_98 : memref<64xi32, #tpu.memory_space<vmem>>) semaphore(%dma_start3A_103 : memref<!tpu.dma_semaphore, #tpu.memory_space<semaphore_mem>>) {add = true}
        %add3A_104 = arith.constant 1 : i32
        %add3A_105 = arith.addi %add3A_39, %add3A_104 : i32
        %dma_wait3A_106 = arith.constant 1 : i32
        %dma_wait3A_107 = arith.constant 0 : i32
        %dma_wait3A_108 = tpu.memref_slice %arg6[%add3A_105, %dma_wait3A_107] : memref<40x64xi32, #tpu.memory_space<vmem>> -> memref<1x64xi32, #tpu.memory_space<vmem>>
        %dma_wait3A_109 = tpu.memref_squeeze %dma_wait3A_108 : memref<1x64xi32, #tpu.memory_space<vmem>> -> memref<64xi32, #tpu.memory_space<vmem>>
        %dma_wait3A_110 = arith.constant 0 : i32
        %dma_wait3A_111 = arith.constant 0 : i32
        %dma_wait3A_112 = tpu.memref_slice %arg2[%dma_wait3A_110, %dma_wait3A_111] : memref<10240x128xf32, #tpu.memory_space<hbm>> -> memref<10240x128xf32, #tpu.memory_space<hbm>>
        %dma_wait3A_113 = tpu.memref_slice %arg13[%dma_wait3A_106] : memref<4x!tpu.dma_semaphore, #tpu.memory_space<semaphore_mem>> -> memref<1x!tpu.dma_semaphore, #tpu.memory_space<semaphore_mem>>
        %dma_wait3A_114 = tpu.memref_squeeze %dma_wait3A_113 : memref<1x!tpu.dma_semaphore, #tpu.memory_space<semaphore_mem>> -> memref<!tpu.dma_semaphore, #tpu.memory_space<semaphore_mem>>
        tpu.wait_indirect_dma semaphore(%dma_wait3A_114 : memref<!tpu.dma_semaphore, #tpu.memory_space<semaphore_mem>>) src(%dma_wait3A_112 : memref<10240x128xf32, #tpu.memory_space<hbm>>) dst(%arg9 : memref<64x128xf32, #tpu.memory_space<vmem>>)
        %add3A_115 = arith.constant 1 : i32
        %add3A_116 = arith.addi %add3A_39, %add3A_115 : i32
        %dma_start3A_117 = arith.constant 1 : i32
        %dma_start3A_118 = arith.constant 0 : i32
        %dma_start3A_119 = tpu.memref_slice %arg7[%add3A_116, %dma_start3A_118] : memref<40x64xi32, #tpu.memory_space<vmem>> -> memref<1x64xi32, #tpu.memory_space<vmem>>
        %dma_start3A_120 = tpu.memref_squeeze %dma_start3A_119 : memref<1x64xi32, #tpu.memory_space<vmem>> -> memref<64xi32, #tpu.memory_space<vmem>>
        %dma_start3A_121 = arith.constant 0 : i32
        %dma_start3A_122 = arith.constant 0 : i32
        %dma_start3A_123 = tpu.memref_slice %arg12[%dma_start3A_121, %dma_start3A_122] : memref<10240x128xf32, #tpu.memory_space<vmem_shared>> -> memref<10240x128xf32, #tpu.memory_space<vmem_shared>>
        %dma_start3A_124 = tpu.memref_slice %arg14[%dma_start3A_117] : memref<4x!tpu.dma_semaphore, #tpu.memory_space<semaphore_mem>> -> memref<1x!tpu.dma_semaphore, #tpu.memory_space<semaphore_mem>>
        %dma_start3A_125 = tpu.memref_squeeze %dma_start3A_124 : memref<1x!tpu.dma_semaphore, #tpu.memory_space<semaphore_mem>> -> memref<!tpu.dma_semaphore, #tpu.memory_space<semaphore_mem>>
        tpu.enqueue_indirect_dma source(%arg9 : memref<64x128xf32, #tpu.memory_space<vmem>>) target(%dma_start3A_123 : memref<10240x128xf32, #tpu.memory_space<vmem_shared>>) offsets(%dma_start3A_120 : memref<64xi32, #tpu.memory_space<vmem>>) semaphore(%dma_start3A_125 : memref<!tpu.dma_semaphore, #tpu.memory_space<semaphore_mem>>) {add = true}
        %add3A_126 = arith.constant 2 : i32
        %add3A_127 = arith.addi %add3A_39, %add3A_126 : i32
        %dma_wait3A_128 = arith.constant 2 : i32
        %dma_wait3A_129 = arith.constant 0 : i32
        %dma_wait3A_130 = tpu.memref_slice %arg6[%add3A_127, %dma_wait3A_129] : memref<40x64xi32, #tpu.memory_space<vmem>> -> memref<1x64xi32, #tpu.memory_space<vmem>>
        %dma_wait3A_131 = tpu.memref_squeeze %dma_wait3A_130 : memref<1x64xi32, #tpu.memory_space<vmem>> -> memref<64xi32, #tpu.memory_space<vmem>>
        %dma_wait3A_132 = arith.constant 0 : i32
        %dma_wait3A_133 = arith.constant 0 : i32
        %dma_wait3A_134 = tpu.memref_slice %arg2[%dma_wait3A_132, %dma_wait3A_133] : memref<10240x128xf32, #tpu.memory_space<hbm>> -> memref<10240x128xf32, #tpu.memory_space<hbm>>
        %dma_wait3A_135 = tpu.memref_slice %arg13[%dma_wait3A_128] : memref<4x!tpu.dma_semaphore, #tpu.memory_space<semaphore_mem>> -> memref<1x!tpu.dma_semaphore, #tpu.memory_space<semaphore_mem>>
        %dma_wait3A_136 = tpu.memref_squeeze %dma_wait3A_135 : memref<1x!tpu.dma_semaphore, #tpu.memory_space<semaphore_mem>> -> memref<!tpu.dma_semaphore, #tpu.memory_space<semaphore_mem>>
        tpu.wait_indirect_dma semaphore(%dma_wait3A_136 : memref<!tpu.dma_semaphore, #tpu.memory_space<semaphore_mem>>) src(%dma_wait3A_134 : memref<10240x128xf32, #tpu.memory_space<hbm>>) dst(%arg10 : memref<64x128xf32, #tpu.memory_space<vmem>>)
        %add3A_137 = arith.constant 2 : i32
        %add3A_138 = arith.addi %add3A_39, %add3A_137 : i32
        %dma_start3A_139 = arith.constant 2 : i32
        %dma_start3A_140 = arith.constant 0 : i32
        %dma_start3A_141 = tpu.memref_slice %arg7[%add3A_138, %dma_start3A_140] : memref<40x64xi32, #tpu.memory_space<vmem>> -> memref<1x64xi32, #tpu.memory_space<vmem>>
        %dma_start3A_142 = tpu.memref_squeeze %dma_start3A_141 : memref<1x64xi32, #tpu.memory_space<vmem>> -> memref<64xi32, #tpu.memory_space<vmem>>
        %dma_start3A_143 = arith.constant 0 : i32
        %dma_start3A_144 = arith.constant 0 : i32
        %dma_start3A_145 = tpu.memref_slice %arg12[%dma_start3A_143, %dma_start3A_144] : memref<10240x128xf32, #tpu.memory_space<vmem_shared>> -> memref<10240x128xf32, #tpu.memory_space<vmem_shared>>
        %dma_start3A_146 = tpu.memref_slice %arg14[%dma_start3A_139] : memref<4x!tpu.dma_semaphore, #tpu.memory_space<semaphore_mem>> -> memref<1x!tpu.dma_semaphore, #tpu.memory_space<semaphore_mem>>
        %dma_start3A_147 = tpu.memref_squeeze %dma_start3A_146 : memref<1x!tpu.dma_semaphore, #tpu.memory_space<semaphore_mem>> -> memref<!tpu.dma_semaphore, #tpu.memory_space<semaphore_mem>>
        tpu.enqueue_indirect_dma source(%arg10 : memref<64x128xf32, #tpu.memory_space<vmem>>) target(%dma_start3A_145 : memref<10240x128xf32, #tpu.memory_space<vmem_shared>>) offsets(%dma_start3A_142 : memref<64xi32, #tpu.memory_space<vmem>>) semaphore(%dma_start3A_147 : memref<!tpu.dma_semaphore, #tpu.memory_space<semaphore_mem>>) {add = true}
        %add3A_148 = arith.constant 3 : i32
        %add3A_149 = arith.addi %add3A_39, %add3A_148 : i32
        %dma_wait3A_150 = arith.constant 3 : i32
        %dma_wait3A_151 = arith.constant 0 : i32
        %dma_wait3A_152 = tpu.memref_slice %arg6[%add3A_149, %dma_wait3A_151] : memref<40x64xi32, #tpu.memory_space<vmem>> -> memref<1x64xi32, #tpu.memory_space<vmem>>
        %dma_wait3A_153 = tpu.memref_squeeze %dma_wait3A_152 : memref<1x64xi32, #tpu.memory_space<vmem>> -> memref<64xi32, #tpu.memory_space<vmem>>
        %dma_wait3A_154 = arith.constant 0 : i32
        %dma_wait3A_155 = arith.constant 0 : i32
        %dma_wait3A_156 = tpu.memref_slice %arg2[%dma_wait3A_154, %dma_wait3A_155] : memref<10240x128xf32, #tpu.memory_space<hbm>> -> memref<10240x128xf32, #tpu.memory_space<hbm>>
        %dma_wait3A_157 = tpu.memref_slice %arg13[%dma_wait3A_150] : memref<4x!tpu.dma_semaphore, #tpu.memory_space<semaphore_mem>> -> memref<1x!tpu.dma_semaphore, #tpu.memory_space<semaphore_mem>>
        %dma_wait3A_158 = tpu.memref_squeeze %dma_wait3A_157 : memref<1x!tpu.dma_semaphore, #tpu.memory_space<semaphore_mem>> -> memref<!tpu.dma_semaphore, #tpu.memory_space<semaphore_mem>>
        tpu.wait_indirect_dma semaphore(%dma_wait3A_158 : memref<!tpu.dma_semaphore, #tpu.memory_space<semaphore_mem>>) src(%dma_wait3A_156 : memref<10240x128xf32, #tpu.memory_space<hbm>>) dst(%arg11 : memref<64x128xf32, #tpu.memory_space<vmem>>)
        %add3A_159 = arith.constant 3 : i32
        %add3A_160 = arith.addi %add3A_39, %add3A_159 : i32
        %dma_start3A_161 = arith.constant 3 : i32
        %dma_start3A_162 = arith.constant 0 : i32
        %dma_start3A_163 = tpu.memref_slice %arg7[%add3A_160, %dma_start3A_162] : memref<40x64xi32, #tpu.memory_space<vmem>> -> memref<1x64xi32, #tpu.memory_space<vmem>>
        %dma_start3A_164 = tpu.memref_squeeze %dma_start3A_163 : memref<1x64xi32, #tpu.memory_space<vmem>> -> memref<64xi32, #tpu.memory_space<vmem>>
        %dma_start3A_165 = arith.constant 0 : i32
        %dma_start3A_166 = arith.constant 0 : i32
        %dma_start3A_167 = tpu.memref_slice %arg12[%dma_start3A_165, %dma_start3A_166] : memref<10240x128xf32, #tpu.memory_space<vmem_shared>> -> memref<10240x128xf32, #tpu.memory_space<vmem_shared>>
        %dma_start3A_168 = tpu.memref_slice %arg14[%dma_start3A_161] : memref<4x!tpu.dma_semaphore, #tpu.memory_space<semaphore_mem>> -> memref<1x!tpu.dma_semaphore, #tpu.memory_space<semaphore_mem>>
        %dma_start3A_169 = tpu.memref_squeeze %dma_start3A_168 : memref<1x!tpu.dma_semaphore, #tpu.memory_space<semaphore_mem>> -> memref<!tpu.dma_semaphore, #tpu.memory_space<semaphore_mem>>
        tpu.enqueue_indirect_dma source(%arg11 : memref<64x128xf32, #tpu.memory_space<vmem>>) target(%dma_start3A_167 : memref<10240x128xf32, #tpu.memory_space<vmem_shared>>) offsets(%dma_start3A_164 : memref<64xi32, #tpu.memory_space<vmem>>) semaphore(%dma_start3A_169 : memref<!tpu.dma_semaphore, #tpu.memory_space<semaphore_mem>>) {add = true}
        %add3A_170 = arith.constant 0 : i32
        %add3A_171 = arith.addi %add3A_39, %add3A_170 : i32
        %dma_wait3A_172 = arith.constant 0 : i32
        %dma_wait3A_173 = arith.constant 0 : i32
        %dma_wait3A_174 = tpu.memref_slice %arg7[%add3A_171, %dma_wait3A_173] : memref<40x64xi32, #tpu.memory_space<vmem>> -> memref<1x64xi32, #tpu.memory_space<vmem>>
        %dma_wait3A_175 = tpu.memref_squeeze %dma_wait3A_174 : memref<1x64xi32, #tpu.memory_space<vmem>> -> memref<64xi32, #tpu.memory_space<vmem>>
        %dma_wait3A_176 = arith.constant 0 : i32
        %dma_wait3A_177 = arith.constant 0 : i32
        %dma_wait3A_178 = tpu.memref_slice %arg12[%dma_wait3A_176, %dma_wait3A_177] : memref<10240x128xf32, #tpu.memory_space<vmem_shared>> -> memref<10240x128xf32, #tpu.memory_space<vmem_shared>>
        %dma_wait3A_179 = tpu.memref_slice %arg14[%dma_wait3A_172] : memref<4x!tpu.dma_semaphore, #tpu.memory_space<semaphore_mem>> -> memref<1x!tpu.dma_semaphore, #tpu.memory_space<semaphore_mem>>
        %dma_wait3A_180 = tpu.memref_squeeze %dma_wait3A_179 : memref<1x!tpu.dma_semaphore, #tpu.memory_space<semaphore_mem>> -> memref<!tpu.dma_semaphore, #tpu.memory_space<semaphore_mem>>
        tpu.wait_indirect_dma semaphore(%dma_wait3A_180 : memref<!tpu.dma_semaphore, #tpu.memory_space<semaphore_mem>>) src(%arg8 : memref<64x128xf32, #tpu.memory_space<vmem>>) dst(%dma_wait3A_178 : memref<10240x128xf32, #tpu.memory_space<vmem_shared>>)
        %add3A_181 = arith.constant 1 : i32
        %add3A_182 = arith.addi %add3A_39, %add3A_181 : i32
        %dma_wait3A_183 = arith.constant 1 : i32
        %dma_wait3A_184 = arith.constant 0 : i32
        %dma_wait3A_185 = tpu.memref_slice %arg7[%add3A_182, %dma_wait3A_184] : memref<40x64xi32, #tpu.memory_space<vmem>> -> memref<1x64xi32, #tpu.memory_space<vmem>>
        %dma_wait3A_186 = tpu.memref_squeeze %dma_wait3A_185 : memref<1x64xi32, #tpu.memory_space<vmem>> -> memref<64xi32, #tpu.memory_space<vmem>>
        %dma_wait3A_187 = arith.constant 0 : i32
        %dma_wait3A_188 = arith.constant 0 : i32
        %dma_wait3A_189 = tpu.memref_slice %arg12[%dma_wait3A_187, %dma_wait3A_188] : memref<10240x128xf32, #tpu.memory_space<vmem_shared>> -> memref<10240x128xf32, #tpu.memory_space<vmem_shared>>
        %dma_wait3A_190 = tpu.memref_slice %arg14[%dma_wait3A_183] : memref<4x!tpu.dma_semaphore, #tpu.memory_space<semaphore_mem>> -> memref<1x!tpu.dma_semaphore, #tpu.memory_space<semaphore_mem>>
        %dma_wait3A_191 = tpu.memref_squeeze %dma_wait3A_190 : memref<1x!tpu.dma_semaphore, #tpu.memory_space<semaphore_mem>> -> memref<!tpu.dma_semaphore, #tpu.memory_space<semaphore_mem>>
        tpu.wait_indirect_dma semaphore(%dma_wait3A_191 : memref<!tpu.dma_semaphore, #tpu.memory_space<semaphore_mem>>) src(%arg9 : memref<64x128xf32, #tpu.memory_space<vmem>>) dst(%dma_wait3A_189 : memref<10240x128xf32, #tpu.memory_space<vmem_shared>>)
        %add3A_192 = arith.constant 2 : i32
        %add3A_193 = arith.addi %add3A_39, %add3A_192 : i32
        %dma_wait3A_194 = arith.constant 2 : i32
        %dma_wait3A_195 = arith.constant 0 : i32
        %dma_wait3A_196 = tpu.memref_slice %arg7[%add3A_193, %dma_wait3A_195] : memref<40x64xi32, #tpu.memory_space<vmem>> -> memref<1x64xi32, #tpu.memory_space<vmem>>
        %dma_wait3A_197 = tpu.memref_squeeze %dma_wait3A_196 : memref<1x64xi32, #tpu.memory_space<vmem>> -> memref<64xi32, #tpu.memory_space<vmem>>
        %dma_wait3A_198 = arith.constant 0 : i32
        %dma_wait3A_199 = arith.constant 0 : i32
        %dma_wait3A_200 = tpu.memref_slice %arg12[%dma_wait3A_198, %dma_wait3A_199] : memref<10240x128xf32, #tpu.memory_space<vmem_shared>> -> memref<10240x128xf32, #tpu.memory_space<vmem_shared>>
        %dma_wait3A_201 = tpu.memref_slice %arg14[%dma_wait3A_194] : memref<4x!tpu.dma_semaphore, #tpu.memory_space<semaphore_mem>> -> memref<1x!tpu.dma_semaphore, #tpu.memory_space<semaphore_mem>>
        %dma_wait3A_202 = tpu.memref_squeeze %dma_wait3A_201 : memref<1x!tpu.dma_semaphore, #tpu.memory_space<semaphore_mem>> -> memref<!tpu.dma_semaphore, #tpu.memory_space<semaphore_mem>>
        tpu.wait_indirect_dma semaphore(%dma_wait3A_202 : memref<!tpu.dma_semaphore, #tpu.memory_space<semaphore_mem>>) src(%arg10 : memref<64x128xf32, #tpu.memory_space<vmem>>) dst(%dma_wait3A_200 : memref<10240x128xf32, #tpu.memory_space<vmem_shared>>)
        %add3A_203 = arith.constant 3 : i32
        %add3A_204 = arith.addi %add3A_39, %add3A_203 : i32
        %dma_wait3A_205 = arith.constant 3 : i32
        %dma_wait3A_206 = arith.constant 0 : i32
        %dma_wait3A_207 = tpu.memref_slice %arg7[%add3A_204, %dma_wait3A_206] : memref<40x64xi32, #tpu.memory_space<vmem>> -> memref<1x64xi32, #tpu.memory_space<vmem>>
        %dma_wait3A_208 = tpu.memref_squeeze %dma_wait3A_207 : memref<1x64xi32, #tpu.memory_space<vmem>> -> memref<64xi32, #tpu.memory_space<vmem>>
        %dma_wait3A_209 = arith.constant 0 : i32
        %dma_wait3A_210 = arith.constant 0 : i32
        %dma_wait3A_211 = tpu.memref_slice %arg12[%dma_wait3A_209, %dma_wait3A_210] : memref<10240x128xf32, #tpu.memory_space<vmem_shared>> -> memref<10240x128xf32, #tpu.memory_space<vmem_shared>>
        %dma_wait3A_212 = tpu.memref_slice %arg14[%dma_wait3A_205] : memref<4x!tpu.dma_semaphore, #tpu.memory_space<semaphore_mem>> -> memref<1x!tpu.dma_semaphore, #tpu.memory_space<semaphore_mem>>
        %dma_wait3A_213 = tpu.memref_squeeze %dma_wait3A_212 : memref<1x!tpu.dma_semaphore, #tpu.memory_space<semaphore_mem>> -> memref<!tpu.dma_semaphore, #tpu.memory_space<semaphore_mem>>
        tpu.wait_indirect_dma semaphore(%dma_wait3A_213 : memref<!tpu.dma_semaphore, #tpu.memory_space<semaphore_mem>>) src(%arg11 : memref<64x128xf32, #tpu.memory_space<vmem>>) dst(%dma_wait3A_211 : memref<10240x128xf32, #tpu.memory_space<vmem_shared>>)
      }
      %scan3A_34 = arith.constant 10 : i32
    }
    %scan3A_15 = arith.constant 4 : i32
    %barrier3A_16 = arith.constant 0 : index
    tpu.barrier barrier_id(%barrier3A_16)
    %mul3A_17 = arith.constant 640 : i32
    %mul3A_18 = arith.muli %arg1, %mul3A_17 : i32
    %mul3A_19 = arith.constant 640 : i32
    %mul3A_20 = arith.muli %arg1, %mul3A_19 : i32
    "tpu.region"() ({
      %run_scoped3A = tpu.sem_alloc : memref<!tpu.dma_semaphore, #tpu.memory_space<semaphore_mem>>
      %dma_start3A = arith.constant 0 : i32
      %dma_start3A_21 = arith.constant 0 : i32
      %dma_start3A_22 = tpu.memref_slice %arg5[%arg0, %dma_start3A, %dma_start3A_21] : memref<2x10240x128xf32, #tpu.memory_space<hbm>> -> memref<1x10240x128xf32, #tpu.memory_space<hbm>>
      %dma_start3A_23 = tpu.memref_squeeze %dma_start3A_22 : memref<1x10240x128xf32, #tpu.memory_space<hbm>> -> memref<10240x128xf32, #tpu.memory_space<hbm>>
      %dma_start3A_24 = arith.constant 0 : i32
      %dma_start3A_25 = tpu.memref_slice %dma_start3A_23[%mul3A_20, %dma_start3A_24] : memref<10240x128xf32, #tpu.memory_space<hbm>> -> memref<640x128xf32, #tpu.memory_space<hbm>>
      %dma_start3A_26 = arith.constant 0 : i32
      %dma_start3A_27 = tpu.memref_slice %arg12[%mul3A_18, %dma_start3A_26] : memref<10240x128xf32, #tpu.memory_space<vmem_shared>> -> memref<640x128xf32, #tpu.memory_space<vmem_shared>>
      tpu.enqueue_dma source(%dma_start3A_27 : memref<640x128xf32, #tpu.memory_space<vmem_shared>>) target(%dma_start3A_25 : memref<640x128xf32, #tpu.memory_space<hbm>>) target_semaphore(%run_scoped3A : memref<!tpu.dma_semaphore, #tpu.memory_space<semaphore_mem>>)
      %dma_wait3A = arith.constant 0 : i32
      %dma_wait3A_28 = arith.constant 0 : i32
      %dma_wait3A_29 = tpu.memref_slice %arg5[%arg0, %dma_wait3A, %dma_wait3A_28] : memref<2x10240x128xf32, #tpu.memory_space<hbm>> -> memref<1x10240x128xf32, #tpu.memory_space<hbm>>
      %dma_wait3A_30 = tpu.memref_squeeze %dma_wait3A_29 : memref<1x10240x128xf32, #tpu.memory_space<hbm>> -> memref<10240x128xf32, #tpu.memory_space<hbm>>
      %dma_wait3A_31 = arith.constant 0 : i32
      %dma_wait3A_32 = tpu.memref_slice %dma_wait3A_30[%mul3A_20, %dma_wait3A_31] : memref<10240x128xf32, #tpu.memory_space<hbm>> -> memref<640x128xf32, #tpu.memory_space<hbm>>
      %dma_wait3A_33 = arith.constant 0 : i32
      %dma_wait3A_34 = tpu.memref_slice %arg12[%mul3A_18, %dma_wait3A_33] : memref<10240x128xf32, #tpu.memory_space<vmem_shared>> -> memref<640x128xf32, #tpu.memory_space<vmem_shared>>
      tpu.wait_dma2 semaphore(%run_scoped3A : memref<!tpu.dma_semaphore, #tpu.memory_space<semaphore_mem>>) src(%dma_wait3A_34 : memref<640x128xf32, #tpu.memory_space<vmem_shared>>) dst(%dma_wait3A_32 : memref<640x128xf32, #tpu.memory_space<hbm>>)
      tpu.yield
    }) : () -> ()
    return
  }
}

module attributes {stable_mosaic.version = 14 : i64} {
  func.func @_tc1_body(%arg0: i32, %arg1: memref<32x128xf32, #tpu.memory_space<vmem>>, %arg2: memref<128x128xf32, #tpu.memory_space<vmem>>, %arg3: memref<128x128xf32, #tpu.memory_space<vmem>>, %arg4: memref<128x128xf32, #tpu.memory_space<vmem>>) attributes {dimension_semantics = [#tpu.dimension_semantics<arbitrary>], iteration_bounds = array<i64: 80>, scalar_prefetch = 0 : i64, scratch_operands = 0 : i64, tpu.core_type = #tpu.core_type<tc>, window_params = [{transform_indices = @transform_0, window_bounds = array<i64: 32, 128>}, {transform_indices = @transform_1, window_bounds = array<i64: 128, 128>}, {pipeline_mode = #tpu.pipeline_mode<synchronous>, transform_indices = @transform_2, window_bounds = array<i64: 128, 128>}, {transform_indices = @transform_3, window_bounds = array<i64: 128, 128>}]} {
    %get3A = arith.constant 0 : index
    %get3A_0 = arith.constant 0 : index
    %get3A_1 = vector.load %arg1[%get3A, %get3A_0] : memref<32x128xf32, #tpu.memory_space<vmem>>, vector<32x128xf32>
    %broadcast_in_dim3A = arith.constant 1.000000e+00 : f32
    %broadcast_in_dim3A_2 = vector.broadcast %broadcast_in_dim3A : f32 to vector<32x1xf32>
    %dot_general3A = arith.constant dense<0.000000e+00> : vector<128x1xf32>
    %dot_general3A_3 = tpu.matmul %get3A_1, %broadcast_in_dim3A_2, %dot_general3A {dimension_numbers = #tpu.dot_dimension_numbers<[0], [0], [1], [1], [0, 1, 1, 1], [], []>, transpose_lhs_hint = false} : vector<32x128xf32>, vector<32x1xf32>, vector<128x1xf32> -> vector<128x1xf32>
    %add3A = arith.constant 1.000000e+00 : f32
    %add3A_4 = vector.broadcast %add3A : f32 to vector<128x1xf32>
    %add3A_5 = arith.addf %add3A_4, %dot_general3A_3 : vector<128x1xf32>
    %rsqrt3A = math.rsqrt %add3A_5 : vector<128x1xf32>
    %get3A_6 = arith.constant 0 : index
    %get3A_7 = arith.constant 0 : index
    %get3A_8 = vector.load %arg2[%get3A_6, %get3A_7] : memref<128x128xf32, #tpu.memory_space<vmem>>, vector<128x128xf32>
    %get3A_9 = arith.constant 0 : index
    %get3A_10 = arith.constant 0 : index
    %get3A_11 = vector.load %arg3[%get3A_9, %get3A_10] : memref<128x128xf32, #tpu.memory_space<vmem>>, vector<128x128xf32>
    %dot_general3A_12 = arith.constant dense<0.000000e+00> : vector<128x128xf32>
    %dot_general3A_13 = tpu.matmul %get3A_8, %get3A_11, %dot_general3A_12 {dimension_numbers = #tpu.dot_dimension_numbers<[1], [0], [0], [1], [0, 0, 1, 1], [], []>, transpose_lhs_hint = false} : vector<128x128xf32>, vector<128x128xf32>, vector<128x128xf32> -> vector<128x128xf32>
    %mul3A = vector.broadcast %rsqrt3A : vector<128x1xf32> to vector<128x128xf32>
    %mul3A_14 = arith.mulf %mul3A, %dot_general3A_13 : vector<128x128xf32>
    %swap3A = arith.constant 0 : index
    %swap3A_15 = arith.constant 0 : index
    %swap3A_16 = vector.load %arg4[%swap3A, %swap3A_15] : memref<128x128xf32, #tpu.memory_space<vmem>>, vector<128x128xf32>
    tpu.vector_store %arg4[%swap3A, %swap3A_15], %mul3A_14 {strides = array<i32>} : memref<128x128xf32, #tpu.memory_space<vmem>>, vector<128x128xf32>,
    return
  }
  func.func @transform_0(%arg0: i32) -> (i32, i32) {
    %c0_i32 = arith.constant 0 : i32
    %c0_i32_0 = arith.constant 0 : i32
    return %c0_i32, %arg0 : i32, i32
  }
  func.func @transform_1(%arg0: i32) -> (i32, i32) {
    %c0_i32 = arith.constant 0 : i32
    %c0_i32_0 = arith.constant 0 : i32
    return %arg0, %c0_i32 : i32, i32
  }
  func.func @transform_2(%arg0: i32) -> (i32, i32) {
    %c0_i32 = arith.constant 0 : i32
    %c0_i32_0 = arith.constant 0 : i32
    %c0_i32_1 = arith.constant 0 : i32
    return %c0_i32, %c0_i32_0 : i32, i32
  }
  func.func @transform_3(%arg0: i32) -> (i32, i32) {
    %c0_i32 = arith.constant 0 : i32
    %c0_i32_0 = arith.constant 0 : i32
    return %arg0, %c0_i32 : i32, i32
  }
}

module attributes {stable_mosaic.version = 14 : i64} {
  func.func @_tc2_body(%arg0: i32, %arg1: memref<32x128xf32, #tpu.memory_space<vmem>>, %arg2: memref<2x128x128xf32, #tpu.memory_space<vmem>>, %arg3: memref<128x128xf32, #tpu.memory_space<vmem>>, %arg4: memref<1x128xf32, #tpu.memory_space<vmem>>, %arg5: memref<128x128xf32, #tpu.memory_space<vmem>>, %arg6: memref<128x128xf32, #tpu.memory_space<vmem>>) attributes {dimension_semantics = [#tpu.dimension_semantics<arbitrary>], iteration_bounds = array<i64: 80>, scalar_prefetch = 0 : i64, scratch_operands = 0 : i64, tpu.core_type = #tpu.core_type<tc>, window_params = [{transform_indices = @transform_0, window_bounds = array<i64: 32, 128>}, {transform_indices = @transform_1, window_bounds = array<i64: 2, 128, 128>}, {transform_indices = @transform_2, window_bounds = array<i64: 128, 128>}, {pipeline_mode = #tpu.pipeline_mode<synchronous>, transform_indices = @transform_3, window_bounds = array<i64: 1, 128>}, {pipeline_mode = #tpu.pipeline_mode<synchronous>, transform_indices = @transform_4, window_bounds = array<i64: 128, 128>}, {transform_indices = @transform_5, window_bounds = array<i64: 128, 128>}]} {
    %get3A = arith.constant 0 : index
    %get3A_0 = arith.constant 0 : index
    %get3A_1 = vector.load %arg1[%get3A, %get3A_0] : memref<32x128xf32, #tpu.memory_space<vmem>>, vector<32x128xf32>
    %broadcast_in_dim3A = arith.constant 1.000000e+00 : f32
    %broadcast_in_dim3A_2 = vector.broadcast %broadcast_in_dim3A : f32 to vector<32x1xf32>
    %dot_general3A = arith.constant dense<0.000000e+00> : vector<128x1xf32>
    %dot_general3A_3 = tpu.matmul %get3A_1, %broadcast_in_dim3A_2, %dot_general3A {dimension_numbers = #tpu.dot_dimension_numbers<[0], [0], [1], [1], [0, 1, 1, 1], [], []>, transpose_lhs_hint = false} : vector<32x128xf32>, vector<32x1xf32>, vector<128x1xf32> -> vector<128x1xf32>
    %add3A = arith.constant 1.000000e+00 : f32
    %add3A_4 = vector.broadcast %add3A : f32 to vector<128x1xf32>
    %add3A_5 = arith.addf %add3A_4, %dot_general3A_3 : vector<128x1xf32>
    %rsqrt3A = math.rsqrt %add3A_5 : vector<128x1xf32>
    %get3A_6 = arith.constant 0 : index
    %get3A_7 = arith.constant 0 : index
    %get3A_8 = arith.constant 0 : index
    %get3A_9 = vector.load %arg2[%get3A_6, %get3A_7, %get3A_8] : memref<2x128x128xf32, #tpu.memory_space<vmem>>, vector<1x128x128xf32>
    %get3A_10 = vector.shape_cast %get3A_9 : vector<1x128x128xf32> to vector<128x128xf32>
    %get3A_11 = arith.constant 1 : index
    %get3A_12 = arith.constant 0 : index
    %get3A_13 = arith.constant 0 : index
    %get3A_14 = vector.load %arg2[%get3A_11, %get3A_12, %get3A_13] : memref<2x128x128xf32, #tpu.memory_space<vmem>>, vector<1x128x128xf32>
    %get3A_15 = vector.shape_cast %get3A_14 : vector<1x128x128xf32> to vector<128x128xf32>
    %add3A_16 = arith.addf %get3A_10, %get3A_15 : vector<128x128xf32>
    %get3A_17 = arith.constant 0 : index
    %get3A_18 = arith.constant 0 : index
    %get3A_19 = vector.load %arg3[%get3A_17, %get3A_18] : memref<128x128xf32, #tpu.memory_space<vmem>>, vector<128x128xf32>
    %add3A_20 = arith.addf %add3A_16, %get3A_19 : vector<128x128xf32>
    %mul3A = vector.broadcast %rsqrt3A : vector<128x1xf32> to vector<128x128xf32>
    %mul3A_21 = arith.mulf %mul3A, %add3A_20 : vector<128x128xf32>
    %get3A_22 = arith.constant 0 : index
    %get3A_23 = arith.constant 0 : index
    %get3A_24 = vector.load %arg4[%get3A_22, %get3A_23] : memref<1x128xf32, #tpu.memory_space<vmem>>, vector<1x128xf32>
    %add3A_25 = vector.broadcast %get3A_24 : vector<1x128xf32> to vector<128x128xf32>
    %add3A_26 = arith.addf %mul3A_21, %add3A_25 : vector<128x128xf32>
    %max3A = arith.constant 0.000000e+00 : f32
    %max3A_27 = vector.broadcast %max3A : f32 to vector<128x128xf32>
    %max3A_28 = arith.maximumf %add3A_26, %max3A_27 : vector<128x128xf32>
    %get3A_29 = arith.constant 0 : index
    %get3A_30 = arith.constant 0 : index
    %get3A_31 = vector.load %arg5[%get3A_29, %get3A_30] : memref<128x128xf32, #tpu.memory_space<vmem>>, vector<128x128xf32>
    %dot_general3A_32 = arith.constant dense<0.000000e+00> : vector<128x128xf32>
    %dot_general3A_33 = tpu.matmul %max3A_28, %get3A_31, %dot_general3A_32 {dimension_numbers = #tpu.dot_dimension_numbers<[1], [0], [0], [1], [0, 0, 1, 1], [], []>, transpose_lhs_hint = false} : vector<128x128xf32>, vector<128x128xf32>, vector<128x128xf32> -> vector<128x128xf32>
    %mul3A_34 = vector.broadcast %rsqrt3A : vector<128x1xf32> to vector<128x128xf32>
    %mul3A_35 = arith.mulf %mul3A_34, %dot_general3A_33 : vector<128x128xf32>
    %swap3A = arith.constant 0 : index
    %swap3A_36 = arith.constant 0 : index
    %swap3A_37 = vector.load %arg6[%swap3A, %swap3A_36] : memref<128x128xf32, #tpu.memory_space<vmem>>, vector<128x128xf32>
    tpu.vector_store %arg6[%swap3A, %swap3A_36], %mul3A_35 {strides = array<i32>} : memref<128x128xf32, #tpu.memory_space<vmem>>, vector<128x128xf32>,
    return
  }
  func.func @transform_0(%arg0: i32) -> (i32, i32) {
    %c0_i32 = arith.constant 0 : i32
    %c0_i32_0 = arith.constant 0 : i32
    return %c0_i32, %arg0 : i32, i32
  }
  func.func @transform_1(%arg0: i32) -> (i32, i32, i32) {
    %c0_i32 = arith.constant 0 : i32
    %c0_i32_0 = arith.constant 0 : i32
    %c0_i32_1 = arith.constant 0 : i32
    return %c0_i32, %arg0, %c0_i32_0 : i32, i32, i32
  }
  func.func @transform_2(%arg0: i32) -> (i32, i32) {
    %c0_i32 = arith.constant 0 : i32
    %c0_i32_0 = arith.constant 0 : i32
    return %arg0, %c0_i32 : i32, i32
  }
  func.func @transform_3(%arg0: i32) -> (i32, i32) {
    %c0_i32 = arith.constant 0 : i32
    %c0_i32_0 = arith.constant 0 : i32
    %c0_i32_1 = arith.constant 0 : i32
    return %c0_i32, %c0_i32_0 : i32, i32
  }
  func.func @transform_4(%arg0: i32) -> (i32, i32) {
    %c0_i32 = arith.constant 0 : i32
    %c0_i32_0 = arith.constant 0 : i32
    %c0_i32_1 = arith.constant 0 : i32
    return %c0_i32, %c0_i32_0 : i32, i32
  }
  func.func @transform_5(%arg0: i32) -> (i32, i32) {
    %c0_i32 = arith.constant 0 : i32
    %c0_i32_0 = arith.constant 0 : i32
    return %arg0, %c0_i32 : i32, i32
  }
}

module attributes {stable_mosaic.version = 14 : i64} {
  func.func @_tc3_body(%arg0: i32, %arg1: memref<32x128xf32, #tpu.memory_space<vmem>>, %arg2: memref<2x128x128xf32, #tpu.memory_space<vmem>>, %arg3: memref<128x128xf32, #tpu.memory_space<vmem>>, %arg4: memref<1x128xf32, #tpu.memory_space<vmem>>, %arg5: memref<128x128xf32, #tpu.memory_space<vmem>>) attributes {dimension_semantics = [#tpu.dimension_semantics<arbitrary>], iteration_bounds = array<i64: 80>, scalar_prefetch = 0 : i64, scratch_operands = 0 : i64, tpu.core_type = #tpu.core_type<tc>, window_params = [{transform_indices = @transform_0, window_bounds = array<i64: 32, 128>}, {transform_indices = @transform_1, window_bounds = array<i64: 2, 128, 128>}, {transform_indices = @transform_2, window_bounds = array<i64: 128, 128>}, {pipeline_mode = #tpu.pipeline_mode<synchronous>, transform_indices = @transform_3, window_bounds = array<i64: 1, 128>}, {transform_indices = @transform_4, window_bounds = array<i64: 128, 128>}]} {
    %get3A = arith.constant 0 : index
    %get3A_0 = arith.constant 0 : index
    %get3A_1 = vector.load %arg1[%get3A, %get3A_0] : memref<32x128xf32, #tpu.memory_space<vmem>>, vector<32x128xf32>
    %broadcast_in_dim3A = arith.constant 1.000000e+00 : f32
    %broadcast_in_dim3A_2 = vector.broadcast %broadcast_in_dim3A : f32 to vector<32x1xf32>
    %dot_general3A = arith.constant dense<0.000000e+00> : vector<128x1xf32>
    %dot_general3A_3 = tpu.matmul %get3A_1, %broadcast_in_dim3A_2, %dot_general3A {dimension_numbers = #tpu.dot_dimension_numbers<[0], [0], [1], [1], [0, 1, 1, 1], [], []>, transpose_lhs_hint = false} : vector<32x128xf32>, vector<32x1xf32>, vector<128x1xf32> -> vector<128x1xf32>
    %add3A = arith.constant 1.000000e+00 : f32
    %add3A_4 = vector.broadcast %add3A : f32 to vector<128x1xf32>
    %add3A_5 = arith.addf %add3A_4, %dot_general3A_3 : vector<128x1xf32>
    %rsqrt3A = math.rsqrt %add3A_5 : vector<128x1xf32>
    %get3A_6 = arith.constant 0 : index
    %get3A_7 = arith.constant 0 : index
    %get3A_8 = arith.constant 0 : index
    %get3A_9 = vector.load %arg2[%get3A_6, %get3A_7, %get3A_8] : memref<2x128x128xf32, #tpu.memory_space<vmem>>, vector<1x128x128xf32>
    %get3A_10 = vector.shape_cast %get3A_9 : vector<1x128x128xf32> to vector<128x128xf32>
    %get3A_11 = arith.constant 1 : index
    %get3A_12 = arith.constant 0 : index
    %get3A_13 = arith.constant 0 : index
    %get3A_14 = vector.load %arg2[%get3A_11, %get3A_12, %get3A_13] : memref<2x128x128xf32, #tpu.memory_space<vmem>>, vector<1x128x128xf32>
    %get3A_15 = vector.shape_cast %get3A_14 : vector<1x128x128xf32> to vector<128x128xf32>
    %add3A_16 = arith.addf %get3A_10, %get3A_15 : vector<128x128xf32>
    %get3A_17 = arith.constant 0 : index
    %get3A_18 = arith.constant 0 : index
    %get3A_19 = vector.load %arg3[%get3A_17, %get3A_18] : memref<128x128xf32, #tpu.memory_space<vmem>>, vector<128x128xf32>
    %add3A_20 = arith.addf %add3A_16, %get3A_19 : vector<128x128xf32>
    %mul3A = vector.broadcast %rsqrt3A : vector<128x1xf32> to vector<128x128xf32>
    %mul3A_21 = arith.mulf %mul3A, %add3A_20 : vector<128x128xf32>
    %get3A_22 = arith.constant 0 : index
    %get3A_23 = arith.constant 0 : index
    %get3A_24 = vector.load %arg4[%get3A_22, %get3A_23] : memref<1x128xf32, #tpu.memory_space<vmem>>, vector<1x128xf32>
    %add3A_25 = vector.broadcast %get3A_24 : vector<1x128xf32> to vector<128x128xf32>
    %add3A_26 = arith.addf %mul3A_21, %add3A_25 : vector<128x128xf32>
    %logistic3A = arith.negf %add3A_26 : vector<128x128xf32>
    %logistic3A_27 = math.exp %logistic3A : vector<128x128xf32>
    %logistic3A_28 = arith.constant 1.000000e+00 : f32
    %logistic3A_29 = vector.broadcast %logistic3A_28 : f32 to vector<128x128xf32>
    %logistic3A_30 = arith.addf %logistic3A_29, %logistic3A_27 : vector<128x128xf32>
    %logistic3A_31 = arith.divf %logistic3A_29, %logistic3A_30 : vector<128x128xf32>
    %swap3A = arith.constant 0 : index
    %swap3A_32 = arith.constant 0 : index
    %swap3A_33 = vector.load %arg5[%swap3A, %swap3A_32] : memref<128x128xf32, #tpu.memory_space<vmem>>, vector<128x128xf32>
    tpu.vector_store %arg5[%swap3A, %swap3A_32], %logistic3A_31 {strides = array<i32>} : memref<128x128xf32, #tpu.memory_space<vmem>>, vector<128x128xf32>,
    return
  }
  func.func @transform_0(%arg0: i32) -> (i32, i32) {
    %c0_i32 = arith.constant 0 : i32
    %c0_i32_0 = arith.constant 0 : i32
    return %c0_i32, %arg0 : i32, i32
  }
  func.func @transform_1(%arg0: i32) -> (i32, i32, i32) {
    %c0_i32 = arith.constant 0 : i32
    %c0_i32_0 = arith.constant 0 : i32
    %c0_i32_1 = arith.constant 0 : i32
    return %c0_i32, %arg0, %c0_i32_0 : i32, i32, i32
  }
  func.func @transform_2(%arg0: i32) -> (i32, i32) {
    %c0_i32 = arith.constant 0 : i32
    %c0_i32_0 = arith.constant 0 : i32
    return %arg0, %c0_i32 : i32, i32
  }
  func.func @transform_3(%arg0: i32) -> (i32, i32) {
    %c0_i32 = arith.constant 0 : i32
    %c0_i32_0 = arith.constant 0 : i32
    %c0_i32_1 = arith.constant 0 : i32
    return %c0_i32, %c0_i32_0 : i32, i32
  }
  func.func @transform_4(%arg0: i32) -> (i32, i32) {
    %c0_i32 = arith.constant 0 : i32
    %c0_i32_0 = arith.constant 0 : i32
    return %arg0, %c0_i32 : i32, i32
  }
}

</mosaic_0001>

<sc_bundles>
// kernel: kernel.11.cloned.1.call-start
scs
__scs_entry_jumppad:
0x0: {  	(pc) =	sbr.rel $0x88, $3  }
0x1: {  	(tag) =	ssettag $0x0;
	lr =	simm.s32 $0x1  }
0x2: {  	[smem:$0x3F9B] =	sst lr;
	_ =	strace $0xD0000000  }
0x3: {  	_ = 	snop  }
0x4: {  	_ = 	snop  }
0x5: {  	_ = 	snop  }
0x6: {  	_ = 	snop  }
0x7: {  	_ = 	snop  }
__scs_overlays_trampoline_lowered:
0x8: {  	[smem:$0x3FAA] =	sst s0  }
0x9: {  	[smem:$0x3FAB] =	sst s1  }
0xa: {  	[smem:$0x3FAC] =	sst s2  }
0xb: {  	[smem:$0x3FAD] =	sst s3  }
0xc: {  	[smem:$0x3FAE] =	sst s4  }
0xd: {  	[smem:$0x3FAF] =	sst s5  }
0xe: {  	[smem:$0x3FB0] =	sst s6  }
0xf: {  	[smem:$0x3FB1] =	sst s7  }
0x10: {  	[smem:$0x3FB2] =	sst s8  }
0x11: {  	[smem:$0x3FB3] =	sst s9;
	s0 =	simm.s32 @!p0 $0x0  }
0x12: {  	s1 =	sld [smem:$0x3F99];
	s0 =	simm.s32 @p0 $0x1  }
0x13: {  	[smem:$0x3FB4] =	sst s0;
	s0 =	simm.s32 @!p1 $0x0  }
0x14: {  	s2 =	sld [smem:$0x3F98];
	s0 =	simm.s32 @p1 $0x1  }
0x15: {  	[smem:$0x3FB5] =	sst s0;
	s0 =	simm.s32 @!p2 $0x0  }
0x16: {  	s3 =	sld [smem:$0x3FDB];
	s0 =	simm.s32 @p2 $0x1  }
0x17: {  	s4 =	simm.s32 $0x1BF5;
	[smem:$0x3FB7] =	sst s0  }
0x18: {  	s0 =	sld [smem:$0x3F9A];
	_ =	swait.ge [sflag:s4], $0x0  }
0x19: {  	s7 =	sld [smem:$0x3F9B]  }
0x1a: {  	s8 =	sadd.s32 $0xFFFFE003, lr  }
0x1b: {  	s9 =	sadd.s32 $0xFFFFFEF7, lr;
	s5 =	simm.s32 $0xFFFFFFFF;
	p2 =	slt.u32 s8, $0xFFFFF086  }
0x1c: {  	p1 =	slt.u32 s9, $0xF7A;
	s5 =	simm.s32 @!p2 $0x0  }
0x1d: {  	s5 =	simm.s32 @p1 $0x1;
	p0 =	seq.s32 s7, s2  }
0x1e: {  	s7 =	smul.u32 @!p0 $0xF7A, s2;
	p2 =	seq.s32 @!p0 s5, $0x0  }
0x1f: {  	s9 =	smul.u32 $0xF7A, s1;
	s8 =	simm.s32 @!p0 $0x1BF5;
	p2 =	por !p2, p0  }
0x20: {  	[sflag:s8] =	ssyncset.s32 @!p0 $0xFFFFF086;
	s6 =	sadd.s32 @!p0 s3, s7;
	s7 =	simm.s32 @!p0 $0x108  }
0x21: {  	s3 =	sadd.s32 s3, s9;
	s6 =	sadd.s32 @!p0 $0x88, s6;
	s7 =	simm.s32 @p2 $0x1082  }
0x22: {  	[simem:s7], [sflag:s8] =	dma.local @!p0 [hbm:s6], $0xF7A  }
0x23: {  	s9 =	sor.u32 $0xD0000000, s2;
	s6 =	simm.s32 $0x108;
	_ =	swait.ge @!p0 [sflag:s8], $0x0  }
0x24: {  	s3 =	sadd.s32 $0x88, s3;
	s6 =	simm.s32 @!p1 $0x1082;
	[sflag:s4] =	ssyncset.s32 $0xFFFFF086  }
0x25: {  	[simem:s6], [sflag:s4] =	dma.local [hbm:s3], $0xF7A  }
0x26: {  	[smem:$0x3F9B] =	sst s1;
	(tag) =	ssettag s2;
	_ =	strace s9  }
0x27: {  	s1 =	sld [smem:$0x3FAB]  }
0x28: {  	s2 =	sld [smem:$0x3FAC]  }
0x29: {  	s4 =	sld [smem:$0x3FAE]  }
0x2a: {  	p0 =	seq.s32 s5, $0x0;
	s5 =	sld [smem:$0x3FAF]  }
0x2b: {  	s6 =	sld [smem:$0x3FB0]  }
0x2c: {  	s7 =	sld [smem:$0x3FB1]  }
0x2d: {  	s3 =	simm.s32 $0x108;
	s8 =	sld [smem:$0x3FB2]  }
0x2e: {  	s3 =	simm.s32 @!p0 $0x1082;
	s9 =	sld [smem:$0x3FB3]  }
0x2f: {  	lr =	sadd.s32 s0, s3;
	s0 =	sld [smem:$0x3FAA]  }
0x30: {  	s3 =	sld [smem:$0x3FAD]  }
0x31: {  	[smem:$0x3FB6] =	sst s10  }
0x32: {  	s10 =	sld [smem:$0x3FB4];
	_ =	sdelay $0x3  }
0x33: {  	p0 =	seq.s32 s10, $0x1;
	s10 =	sld [smem:$0x3FB6];
	_ =	sdelay $0x3  }
0x34: {  	[smem:$0x3FB6] =	sst s10  }
0x35: {  	s10 =	sld [smem:$0x3FB5];
	_ =	sdelay $0x3  }
0x36: {  	p1 =	seq.s32 s10, $0x1;
	s10 =	sld [smem:$0x3FB6];
	_ =	sdelay $0x3  }
0x37: {  	[smem:$0x3FB6] =	sst s10  }
0x38: {  	s10 =	sld [smem:$0x3FB7]  }
0x39: {  	_ = 	snop;
	(pc) =	sbr.ind lr, $3  }
0x3a: {  	_ = 	snop  }
0x3b: {  	_ = 	snop  }
0x3c: {  	p2 =	seq.s32 s10, $0x1;
	s10 =	sld [smem:$0x3FB6]  }
0x3d: {  	_ =	shalt  }
0x3e: {  	_ =	shalt  }
0x3f: {  	_ =	shalt  }
0x40: {  	_ =	shalt  }
0x41: {  	_ =	shalt  }
0x42: {  	_ =	shalt  }
0x43: {  	_ =	shalt  }
0x44: {  	_ =	shalt  }
0x45: {  	_ =	shalt  }
0x46: {  	_ =	shalt  }
0x47: {  	_ =	shalt  }
0x48: {  	_ =	shalt  }
0x49: {  	_ =	shalt  }
0x4a: {  	_ =	shalt  }
0x4b: {  	_ =	shalt  }
0x4c: {  	_ =	shalt  }
0x4d: {  	_ =	shalt  }
0x4e: {  	_ =	shalt  }
0x4f: {  	_ =	shalt  }
0x50: {  	_ =	shalt  }
0x51: {  	_ =	shalt  }
0x52: {  	_ =	shalt  }
0x53: {  	_ =	shalt  }
0x54: {  	_ =	shalt  }
0x55: {  	_ =	shalt  }
0x56: {  	_ =	shalt  }
0x57: {  	_ =	shalt  }
0x58: {  	_ =	shalt  }
0x59: {  	_ =	shalt  }
0x5a: {  	_ =	shalt  }
0x5b: {  	_ =	shalt  }
0x5c: {  	_ =	shalt  }
0x5d: {  	_ =	shalt  }
0x5e: {  	_ =	shalt  }
0x5f: {  	_ =	shalt  }
0x60: {  	_ =	shalt  }
0x61: {  	_ =	shalt  }
0x62: {  	_ =	shalt  }
0x63: {  	_ =	shalt  }
0x64: {  	_ =	shalt  }
0x65: {  	_ =	shalt  }
0x66: {  	_ =	shalt  }
0x67: {  	_ =	shalt  }
0x68: {  	_ =	shalt  }
0x69: {  	_ =	shalt  }
0x6a: {  	_ =	shalt  }
0x6b: {  	_ =	shalt  }
0x6c: {  	_ =	shalt  }
0x6d: {  	_ =	shalt  }
0x6e: {  	_ =	shalt  }
0x6f: {  	_ =	shalt  }
0x70: {  	_ =	shalt  }
0x71: {  	_ =	shalt  }
0x72: {  	_ =	shalt  }
0x73: {  	_ =	shalt  }
0x74: {  	_ =	shalt  }
0x75: {  	_ =	shalt  }
0x76: {  	_ =	shalt  }
0x77: {  	_ =	shalt  }
0x78: {  	_ =	shalt  }
0x79: {  	_ =	shalt  }
0x7a: {  	_ =	shalt  }
0x7b: {  	_ =	shalt  }
0x7c: {  	_ =	shalt  }
0x7d: {  	_ =	shalt  }
0x7e: {  	_ =	shalt  }
0x7f: {  	_ =	shalt  }
0x80: {  	_ =	shalt  }
0x81: {  	_ =	shalt  }
0x82: {  	_ =	shalt  }
0x83: {  	_ =	shalt  }
0x84: {  	_ =	shalt  }
0x85: {  	_ =	shalt  }
0x86: {  	_ =	shalt  }
0x87: {  	_ =	shalt  }
.Lfunc_end0:
.L_simem_size_0:
called_computation.1_lowered:
.L_overlay_start_0:
0x88: {  	s2 =	sld [smem:$0x3FD9]  }
0x89: {  	s3 =	sld [smem:$0x3FFE];
	_ =	sdelay $0x1  }
0x8a: {  	s1 =	srdreg.scid  }
0x8b: {  	s0 =	sand.u32 $0x1, s1  }
0x8c: {  	s17 =	sshll.u32 s0, $0xA;
	s2 =	sadd.s32 s3, s2  }
0x8d: {  	s2 =	sadd.s32 s2, s17  }
0x8e: {  	[smem:$0x3FC2] =	sst s2  }
0x8f: {  	_ = 	snop  }
0x90: {  	s2 =	sld [smem:$0x3FD0];
	(tm) =	ssettm $0x1  }
0x91: {  	s18 =	sld [smem:$0x3FFB];
	_ =	sdelay $0x3  }
0x92: {  	_ =	strace s18  }
0x93: {  	s3 =	sld [smem:$0x3FFC];
	_ =	sdelay $0x3  }
0x94: {  	_ =	strace s3  }
0x95: {  	s3 =	sld [smem:$0x3FFD];
	_ =	sdelay $0x3  }
0x96: {  	_ =	strace s3  }
0x97: {  	_ =	strace $0x8FFFFFFF  }
0x98: {  	s19 =	sld [smem:$0x3FDB];
	_ =	sdelay $0x1  }
0x99: {  	s4 =	simm.s32 $_scs_section_size  }
0x9a: {  	s5 =	simm.s32 $_size__tile_overlayer_lowered;
	s6 =	simm.s32 $_tile_overlayer_lowered  }
0x9b: {  	s22 =	simm.s32 $0x1BFF;
	s21 =	sshll.u32 s6, $0x1;
	s3 =	sadd.s32 s4, s19  }
0x9c: {  	s7 =	simm.s32 $0x0;
	s20 =	sshll.u32 s5, $0x1;
	s5 =	sadd.s32 s21, s3  }
0x9d: {  	[timem:s7], [sflag:s22] =	dma.local [hbm:s5], s20  }
0x9e: {  	_ =	swait.ge [sflag:s22], s20  }
0x9f: {  	s4 =	ssub.s32 $0x0, s20;
	[sflag:s22] =	ssyncset.done $0x0  }
0xa0: {  	[sflag:s22] =	ssyncadd.s32 s4;
	_ =	sdelay $0x1  }
0xa1: {  	s23 =	simm.s32 $0x1B8B  }
0xa2: {  	_ =	swait.ge [sflag:s23], $0x1  }
0xa3: {  	[sflag:s23] =	ssyncset.done $0x0  }
0xa4: {  	s25 =	simm.s32 $0x1B8E;
	s24 =	sld [smem:$0x3FFE];
	[sflag:s23] =	ssyncadd.s32 $0xFFFFFFFF  }
0xa5: {  	s26 =	simm.s32 $execute0_lowered;
	[smem:$0x3FD2] =	sst s25  }
0xa6: {  	s5 =	sshll.u32 s26, $0x1;
	_ =	strace $0x80000049;
	[dreg:$0x1] =	wrdreg $0xFFFFFFFF  }
0xa7: {  	s28 =	simm.s32 $_size_execute0_lowered;
	s3 =	sadd.s32 s3, s5;
	[dreg:$0x0] =	wrdreg $0x0  }
0xa8: {  	s5 =	sshll.u32 s28, $0x1;
	[dreg:$0x2] =	wrdreg s3  }
0xa9: {  	[dreg:$0x3] =	wrdreg s5  }
0xaa: {  	[dreg:$0x4] =	wrdreg $0xC0  }
0xab: {  	_ =	task [dreg:s7], $0x5FFFF  }
0xac: {  	[dreg:$0x1] =	wrdreg $0xFFFFFFFF  }
0xad: {  	[dreg:$0x0] =	wrdreg $0x60  }
0xae: {  	[dreg:$0x2] =	wrdreg s24  }
0xaf: {  	[dreg:$0x3] =	wrdreg s2  }
0xb0: {  	[dreg:$0x4] =	wrdreg $0xA8000  }
0xb1: {  	[dreg:$0x5] =	wrdreg $0x9  }
0xb2: {  	_ =	task.clear_ibuf [dreg:s7], $0x6FFFF;
	_ =	strace $0x90000049  }
0xb3: {  	s29 =	simm.s32 $0x9;
	_ =	strace $0x8000004B  }
0xb4: {  	_ =	swait.ge [sflag:s29], $0x1  }
0xb5: {  	[sflag:s29] =	ssyncadd.s32 $0xFFFFFFFF  }
0xb6: {  	_ =	strace $0x9000004B  }
0xb7: {  	_ =	sfence  }
0xb8: {  	s30 =	sld [smem:$0x0];
	_ =	sdelay $0x2  }
0xb9: {  	s31 =	sshll.u32 s1, $0xD;
	s1 =	sshrl.u32 s1, $0x2  }
0xba: {  	s3 =	sand.u32 $0x4000, s31;
	s1 =	sadd.s32 s1, s30  }
0xbb: {  	s0 =	sor.u32 s3, s0;
	s1 =	sshll.u32 s1, $0x11  }
0xbc: {  	s0 =	sor.u32 s1, s0  }
0xbd: {  	s0 =	sadd.s32 $0x8F2B, s0  }
0xbe: {  	[sflag:s0] =	ssyncadd.remote.s32 $0x1  }
0xbf: {  	_ =	sfence.sel $0xFFFF  }
0xc0: {  	[dreg:$0x0] =	wrdreg $0xFFFFFFFF;
	(pc) =	sbr.abs _section_cstart, $3  }
0xc1: {  	[dreg:$0x1] =	wrdreg $0xFFFFFFFF  }
0xc2: {  	_ =	task.clear_ibuf [dreg:s7], $0x2FFFF;
	_ =	strace $0x9FFFFFFF  }
0xc3: {  	(tm) =	ssettm $0x7FFFFFFF  }
tec
execute0_lowered:
.L_overlay_start_1:
0x0: {  	(tag) =	ssettag $0x1  }
0x1: {  	s0 =	rddreg [dreg:$0x0]  }
0x2: {  	s1 =	rddreg [dreg:$0x1];
	s3 =	srdreg.scid  }
0x3: {  	s11 =	stileid.u32;
	s2 =	rddreg [dreg:$0x2]  }
0x4: {  	s18 =	simm.s32 $0x2800;
	s19 =	simm.s32 $0x9;
	s20 =	simm.s32 $0x1400  }
0x5: {  	s28 =	simm.s32 $0x2;
	s29 =	simm.s32 $0x3;
	s30 =	simm.s32 $0x4  }
0x6: {  	s31 =	simm.s32 $0x5;
	s5 =	sand.u32 $0x1, s3;
	s7 =	smul.u32 $0x50000, s11  }
0x7: {  	s4 =	sshll.u32 s11, $0x1;
	s3 =	simm.s32 $0x0;
	s14 =	smul.u32 $0x2800, s11  }
0x8: {  	s4 =	sor.u32 s5, s4;
	[smem:$0x7FF] =	sst s3;
	s8 =	smul.u32 $0x28000, s5  }
0x9: {  	s5 =	ssub.s32 $0x2, s5;
	s6 =	smul.u32 $0xA00, s4;
	_ =	strace $0x8000004A  }
0xa: {  	s4 =	sadd.s32 $0x2A400, s0;
	s10 =	sshrl.u32 s5, $0x1;
	s7 =	sshrl.u32 s7, $0x2  }
0xb: {  	s13 =	ssub.s32 s5, s10;
	s5 =	sadd.s32 s7, s2;
	s9 =	sadd.s32 s6, s0  }
0xc: {  	s0 =	sadd.s32 s8, s0;
	s6 =	sadd.s32 s1, s6;
	s8 =	smax.u32 s13, $0x1  }
0xd: {  	s21 =	sadd.s32 $0x2000, s5;
	s22 =	sadd.s32 $0x4000, s5;
	[dreg:$0x4] =	wrdreg s8  }
0xe: {  	s23 =	sadd.s32 $0x6000, s5;
	s24 =	sadd.s32 $0x8000, s5;
	[dreg:$0x5] =	wrdreg s21  }
0xf: {  	s25 =	sadd.s32 $0xA000, s5;
	s26 =	sadd.s32 $0xC000, s5;
	[dreg:$0x6] =	wrdreg s22  }
0x10: {  	s15 =	sadd.s32 $0xE000, s5;
	s16 =	sadd.s32 $0x10000, s5;
	[dreg:$0x7] =	wrdreg s23  }
0x11: {  	s17 =	sadd.s32 $0x12000, s5;
	s1 =	simm.s32 $0x6;
	[dreg:$0x8] =	wrdreg s24  }
0x12: {  	s7 =	sadd.s32 $0x16400, s9;
	s0 =	sadd.s32 $0x52400, s0;
	[dreg:$0x9] =	wrdreg s25  }
0x13: {  	[dreg:$0xa] =	wrdreg s26;
	s21 =	simm.s32 $0x40;
	s22 =	simm.s32 $0x4800  }
0x14: {  	s23 =	simm.s32 $0x6800;
	s25 =	simm.s32 $0x8800;
	s26 =	simm.s32 $0x1  }
0x15: {  	v0 =	vimm.f32 $0.0e+00;
	s8 =	simm.s32 $0x8;
	s24 =	sadd.s32 s14, s0;
	s0 =	simm.s32 $0x7  }
.LBB2_1:
0x16: {  	s9 =	simm.s32 $0x0;
	s10 =	simm.s32 $0x200  }
.LBB2_2:
0x17: {  	p0 =	sne.s32 s10, $0x7E00;
	[tilespmem:s9+$0x2870] =	vst v0  }
0x18: {  	[tilespmem:s9+$0x2800] =	vst v0  }
0x19: {  	[tilespmem:s9+$0x2810] =	vst v0  }
.Ltmp0:
0x1a: {  	[tilespmem:s9+$0x2820] =	vst v0;
	(pc) =	sbr.rel @p0 .LBB2_2-.Ltmp0, $4  }
0x1b: {  	[tilespmem:s9+$0x2830] =	vst v0  }
0x1c: {  	[tilespmem:s9+$0x2840] =	vst v0  }
0x1d: {  	[tilespmem:s9+$0x2850] =	vst v0  }
0x1e: {  	[tilespmem:s9+$0x2860] =	vst v0;
	s9 =	sshra.s32 s10, $0x2;
	s10 =	sadd.s32 $0x200, s10  }
0x1f: {  	[tilespmem:s9+$0x2870] =	vst v0  }
0x20: {  	[tilespmem:s9+$0x2800] =	vst v0  }
0x21: {  	[tilespmem:s9+$0x2810] =	vst v0  }
0x22: {  	[tilespmem:s9+$0x2820] =	vst v0  }
0x23: {  	[tilespmem:s9+$0x2830] =	vst v0  }
0x24: {  	[tilespmem:s9+$0x2840] =	vst v0  }
0x25: {  	[tilespmem:s9+$0x2850] =	vst v0  }
0x26: {  	[tilespmem:s9+$0x2860] =	vst v0  }
0x27: {  	[spmem:s5] =	stream.linear.scatter [tilespmem:s18], [sflag:$0x9], $0x2000, $0x38;
	[tilespmem:$0x1E800] =	vst v63  }
0x28: {  	_ =	swait.ge [sflag:s19], $0x2000  }
0x29: {  	[sflag:s19] =	ssyncset.done $0x0  }
0x2a: {  	s14 =	rddreg [dreg:$0x5];
	[sflag:s19] =	ssyncadd.s32 $0xFFFFE000  }
0x2b: {  	[spmem:s14] =	stream.linear.scatter [tilespmem:s18], [sflag:$0x9], $0x2000, $0x38;
	[tilespmem:$0x1E800] =	vst v63  }
0x2c: {  	_ =	swait.ge [sflag:s19], $0x2000  }
0x2d: {  	[sflag:s19] =	ssyncset.done $0x0  }
0x2e: {  	s10 =	rddreg [dreg:$0x6];
	[sflag:s19] =	ssyncadd.s32 $0xFFFFE000  }
0x2f: {  	[spmem:s10] =	stream.linear.scatter [tilespmem:s18], [sflag:$0x9], $0x2000, $0x38;
	[tilespmem:$0x1E800] =	vst v63  }
0x30: {  	_ =	swait.ge [sflag:s19], $0x2000  }
0x31: {  	[sflag:s19] =	ssyncset.done $0x0  }
0x32: {  	s11 =	rddreg [dreg:$0x7];
	[sflag:s19] =	ssyncadd.s32 $0xFFFFE000  }
0x33: {  	[spmem:s11] =	stream.linear.scatter [tilespmem:s18], [sflag:$0x9], $0x2000, $0x38;
	[tilespmem:$0x1E800] =	vst v63  }
0x34: {  	_ =	swait.ge [sflag:s19], $0x2000  }
0x35: {  	[sflag:s19] =	ssyncset.done $0x0  }
0x36: {  	s12 =	rddreg [dreg:$0x8];
	[sflag:s19] =	ssyncadd.s32 $0xFFFFE000  }
0x37: {  	[spmem:s12] =	stream.linear.scatter [tilespmem:s18], [sflag:$0x9], $0x2000, $0x38;
	[tilespmem:$0x1E800] =	vst v63  }
0x38: {  	_ =	swait.ge [sflag:s19], $0x2000  }
0x39: {  	[sflag:s19] =	ssyncset.done $0x0  }
0x3a: {  	s13 =	rddreg [dreg:$0x9];
	[sflag:s19] =	ssyncadd.s32 $0xFFFFE000  }
0x3b: {  	[spmem:s13] =	stream.linear.scatter [tilespmem:s18], [sflag:$0x9], $0x2000, $0x38;
	[tilespmem:$0x1E800] =	vst v63  }
0x3c: {  	_ =	swait.ge [sflag:s19], $0x2000  }
0x3d: {  	[sflag:s19] =	ssyncset.done $0x0  }
0x3e: {  	s14 =	rddreg [dreg:$0xa];
	[sflag:s19] =	ssyncadd.s32 $0xFFFFE000  }
0x3f: {  	[spmem:s14] =	stream.linear.scatter [tilespmem:s18], [sflag:$0x9], $0x2000, $0x38;
	[tilespmem:$0x1E800] =	vst v63  }
0x40: {  	_ =	swait.ge [sflag:s19], $0x2000  }
0x41: {  	[sflag:s19] =	ssyncset.done $0x0  }
0x42: {  	[sflag:s19] =	ssyncadd.s32 $0xFFFFE000  }
0x43: {  	[spmem:s15] =	stream.linear.scatter [tilespmem:s18], [sflag:$0x9], $0x2000, $0x38;
	[tilespmem:$0x1E800] =	vst v63  }
0x44: {  	_ =	swait.ge [sflag:s19], $0x2000  }
0x45: {  	[sflag:s19] =	ssyncset.done $0x0  }
0x46: {  	[sflag:s19] =	ssyncadd.s32 $0xFFFFE000  }
0x47: {  	[spmem:s16] =	stream.linear.scatter [tilespmem:s18], [sflag:$0x9], $0x2000, $0x38;
	[tilespmem:$0x1E800] =	vst v63  }
0x48: {  	_ =	swait.ge [sflag:s19], $0x2000  }
0x49: {  	[sflag:s19] =	ssyncset.done $0x0  }
0x4a: {  	[sflag:s19] =	ssyncadd.s32 $0xFFFFE000  }
0x4b: {  	[spmem:s17] =	stream.linear.scatter [tilespmem:s18], [sflag:$0x9], $0x2000, $0x38;
	[tilespmem:$0x1E800] =	vst v63  }
0x4c: {  	_ =	swait.ge [sflag:s19], $0x2000  }
0x4d: {  	[sflag:s19] =	ssyncset.done $0x0  }
0x4e: {  	[sflag:s19] =	ssyncadd.s32 $0xFFFFE000  }
0x4f: {  	s9 =	simm.s32 $0x0;
	s10 =	simm.s32 $0x0;
	[bflag:$0x0] =	sbarrier.arrive $0xFFFF  }
.LBB2_4:
0x50: {  	s11 =	smul.u32 $0x280, s10;
	_ =	sdelay $0x1  }
0x51: {  	s12 =	sadd.s32 s11, s6  }
0x52: {  	[tilespmem:s9], [sflag:$0x9] =	stream.linear.gather [hbm4b:s12+s9], $0x1400, $0x38;
	[tilespmem:$0x1E800] =	vst v63  }
0x53: {  	_ =	swait.ge [sflag:s19], $0x1400  }
0x54: {  	[sflag:s19] =	ssyncset.done $0x0  }
0x55: {  	s11 =	sadd.s32 s11, s7;
	[sflag:s19] =	ssyncadd.s32 $0xFFFFEC00  }
0x56: {  	[tilespmem:s20], [sflag:$0x9] =	stream.linear.gather [hbm4b:s11+s9], $0x1400, $0x38;
	[tilespmem:$0x1E800] =	vst v63  }
0x57: {  	_ =	swait.ge [sflag:s19], $0x1400  }
0x58: {  	[sflag:s19] =	ssyncset.done $0x0  }
0x59: {  	s13 =	simm.s32 $0x0;
	[sflag:s19] =	ssyncadd.s32 $0xFFFFEC00  }
0x5a: {  	[tilespmem:s18], [sflag:$0x1] =	stream.indirect.gather [hbm4b:s4+s21], $0x80, s13, s21, $0xb8;
	[tilespmem:$0x1E800] =	vst v63  }
0x5b: {  	s14 =	simm.s32 $0x80  }
0x5c: {  	[tilespmem:s22], [sflag:$0x2] =	stream.indirect.gather [hbm4b:s4+s21], $0x80, s14, s21, $0xb8;
	[tilespmem:$0x1E800] =	vst v63  }
0x5d: {  	s12 =	simm.s32 $0x100  }
0x5e: {  	[tilespmem:s23], [sflag:$0x3] =	stream.indirect.gather [hbm4b:s4+s21], $0x80, s12, s21, $0xb8;
	[tilespmem:$0x1E800] =	vst v63  }
0x5f: {  	s13 =	simm.s32 $0x180  }
0x60: {  	[tilespmem:s25], [sflag:$0x4] =	stream.indirect.gather [hbm4b:s4+s21], $0x80, s13, s21, $0xb8;
	[tilespmem:$0x1E800] =	vst v63  }
0x61: {  	_ =	swait.ge [sflag:s26], $0x2000  }
0x62: {  	[sflag:s26] =	ssyncset.done $0x0  }
0x63: {  	s14 =	simm.s32 $0x1400;
	[sflag:s26] =	ssyncadd.s32 $0xFFFFE000  }
0x64: {  	[spmem:s2] =	stream.indirect.scatter.add.f32 [tilespmem:s18], [sflag:$0x5], $0x80, s14, s21, $0xb8;
	[tilespmem:$0x1E800] =	vst v63  }
0x65: {  	_ =	swait.ge [sflag:s28], $0x2000  }
0x66: {  	[sflag:s28] =	ssyncset.done $0x0  }
0x67: {  	s12 =	simm.s32 $0x1480;
	[sflag:s28] =	ssyncadd.s32 $0xFFFFE000  }
0x68: {  	[spmem:s2] =	stream.indirect.scatter.add.f32 [tilespmem:s22], [sflag:$0x6], $0x80, s12, s21, $0xb8;
	[tilespmem:$0x1E800] =	vst v63  }
0x69: {  	_ =	swait.ge [sflag:s29], $0x2000  }
0x6a: {  	[sflag:s29] =	ssyncset.done $0x0  }
0x6b: {  	s13 =	simm.s32 $0x1500;
	[sflag:s29] =	ssyncadd.s32 $0xFFFFE000  }
0x6c: {  	[spmem:s2] =	stream.indirect.scatter.add.f32 [tilespmem:s23], [sflag:$0x7], $0x80, s13, s21, $0xb8;
	[tilespmem:$0x1E800] =	vst v63  }
0x6d: {  	_ =	swait.ge [sflag:s30], $0x2000  }
0x6e: {  	[sflag:s30] =	ssyncset.done $0x0  }
0x6f: {  	s14 =	simm.s32 $0x1580;
	[sflag:s30] =	ssyncadd.s32 $0xFFFFE000  }
0x70: {  	[spmem:s2] =	stream.indirect.scatter.add.f32 [tilespmem:s25], [sflag:$0x8], $0x80, s14, s21, $0xb8;
	[tilespmem:$0x1E800] =	vst v63  }
0x71: {  	_ =	swait.ge [sflag:s31], $0x2000  }
0x72: {  	[sflag:s31] =	ssyncset.done $0x0  }
0x73: {  	[sflag:s31] =	ssyncadd.s32 $0xFFFFE000  }
0x74: {  	_ =	swait.ge [sflag:s1], $0x2000  }
0x75: {  	[sflag:s1] =	ssyncset.done $0x0  }
0x76: {  	[sflag:s1] =	ssyncadd.s32 $0xFFFFE000  }
0x77: {  	_ =	swait.ge [sflag:s0], $0x2000  }
0x78: {  	[sflag:s0] =	ssyncset.done $0x0  }
0x79: {  	[sflag:s0] =	ssyncadd.s32 $0xFFFFE000  }
0x7a: {  	_ =	swait.ge [sflag:s8], $0x2000  }
0x7b: {  	s11 =	simm.s32 $0x800;
	s12 =	simm.s32 $0x1000;
	[sflag:s8] =	ssyncset.done $0x0  }
.LBB2_5:
0x7c: {  	s14 =	sshra.s32 s11, $0x2  }
0x7d: {  	[sflag:s8] =	ssyncadd.s32 $0xFFFFE000;
	s11 =	smov.u32 s12;
	s13 =	sadd.s32 $0x800, s12  }
0x7e: {  	[tilespmem:s18], [sflag:$0x1] =	stream.indirect.gather [hbm4b:s4+s21], $0x80, s14, s21, $0xb8;
	[tilespmem:$0x1E800] =	vst v63  }
0x7f: {  	p0 =	sne.s32 s12, $0x4800;
	s12 =	sadd.s32 $0x80, s14  }
0x80: {  	[tilespmem:s22], [sflag:$0x2] =	stream.indirect.gather [hbm4b:s4+s21], $0x80, s12, s21, $0xb8;
	[tilespmem:$0x1E800] =	vst v63  }
0x81: {  	s12 =	sadd.s32 $0x100, s14  }
0x82: {  	[tilespmem:s23], [sflag:$0x3] =	stream.indirect.gather [hbm4b:s4+s21], $0x80, s12, s21, $0xb8;
	[tilespmem:$0x1E800] =	vst v63  }
0x83: {  	s12 =	sadd.s32 $0x180, s14  }
0x84: {  	[tilespmem:s25], [sflag:$0x4] =	stream.indirect.gather [hbm4b:s4+s21], $0x80, s12, s21, $0xb8;
	[tilespmem:$0x1E800] =	vst v63  }
0x85: {  	_ =	swait.ge [sflag:s26], $0x2000  }
0x86: {  	[sflag:s26] =	ssyncset.done $0x0  }
0x87: {  	s12 =	sadd.s32 $0x1400, s14;
	[sflag:s26] =	ssyncadd.s32 $0xFFFFE000  }
0x88: {  	[spmem:s2] =	stream.indirect.scatter.add.f32 [tilespmem:s18], [sflag:$0x5], $0x80, s12, s21, $0xb8;
	[tilespmem:$0x1E800] =	vst v63  }
0x89: {  	_ =	swait.ge [sflag:s28], $0x2000  }
0x8a: {  	[sflag:s28] =	ssyncset.done $0x0  }
0x8b: {  	s12 =	sadd.s32 $0x1480, s14;
	[sflag:s28] =	ssyncadd.s32 $0xFFFFE000  }
0x8c: {  	[spmem:s2] =	stream.indirect.scatter.add.f32 [tilespmem:s22], [sflag:$0x6], $0x80, s12, s21, $0xb8;
	[tilespmem:$0x1E800] =	vst v63  }
0x8d: {  	_ =	swait.ge [sflag:s29], $0x2000  }
0x8e: {  	[sflag:s29] =	ssyncset.done $0x0  }
0x8f: {  	s12 =	sadd.s32 $0x1500, s14;
	[sflag:s29] =	ssyncadd.s32 $0xFFFFE000  }
0x90: {  	[spmem:s2] =	stream.indirect.scatter.add.f32 [tilespmem:s23], [sflag:$0x7], $0x80, s12, s21, $0xb8;
	[tilespmem:$0x1E800] =	vst v63  }
0x91: {  	_ =	swait.ge [sflag:s30], $0x2000  }
0x92: {  	[sflag:s30] =	ssyncset.done $0x0  }
0x93: {  	s12 =	sadd.s32 $0x1580, s14;
	[sflag:s30] =	ssyncadd.s32 $0xFFFFE000  }
0x94: {  	[spmem:s2] =	stream.indirect.scatter.add.f32 [tilespmem:s25], [sflag:$0x8], $0x80, s12, s21, $0xb8;
	[tilespmem:$0x1E800] =	vst v63  }
0x95: {  	_ =	swait.ge [sflag:s31], $0x2000  }
0x96: {  	[sflag:s31] =	ssyncset.done $0x0  }
0x97: {  	[sflag:s31] =	ssyncadd.s32 $0xFFFFE000  }
0x98: {  	_ =	swait.ge [sflag:s1], $0x2000  }
0x99: {  	[sflag:s1] =	ssyncset.done $0x0  }
0x9a: {  	[sflag:s1] =	ssyncadd.s32 $0xFFFFE000  }
.Ltmp1:
0x9b: {  	_ =	swait.ge [sflag:s0], $0x2000;
	(pc) =	sbr.rel @p0 .LBB2_5-.Ltmp1, $4  }
0x9c: {  	[sflag:s0] =	ssyncset.done $0x0  }
0x9d: {  	[sflag:s0] =	ssyncadd.s32 $0xFFFFE000  }
0x9e: {  	_ =	swait.ge [sflag:s8], $0x2000  }
0x9f: {  	s12 =	smov.u32 s13;
	[sflag:s8] =	ssyncset.done $0x0  }
0xa0: {  	s11 =	sshra.s32 s11, $0x2;
	[sflag:s8] =	ssyncadd.s32 $0xFFFFE000  }
0xa1: {  	[tilespmem:s18], [sflag:$0x1] =	stream.indirect.gather [hbm4b:s4+s21], $0x80, s11, s21, $0xb8;
	[tilespmem:$0x1E800] =	vst v63  }
0xa2: {  	s12 =	sadd.s32 $0x80, s11  }
0xa3: {  	[tilespmem:s22], [sflag:$0x2] =	stream.indirect.gather [hbm4b:s4+s21], $0x80, s12, s21, $0xb8;
	[tilespmem:$0x1E800] =	vst v63  }
0xa4: {  	s14 =	sadd.s32 $0x100, s11  }
0xa5: {  	[tilespmem:s23], [sflag:$0x3] =	stream.indirect.gather [hbm4b:s4+s21], $0x80, s14, s21, $0xb8;
	[tilespmem:$0x1E800] =	vst v63  }
0xa6: {  	s13 =	sadd.s32 $0x180, s11  }
0xa7: {  	[tilespmem:s25], [sflag:$0x4] =	stream.indirect.gather [hbm4b:s4+s21], $0x80, s13, s21, $0xb8;
	[tilespmem:$0x1E800] =	vst v63  }
0xa8: {  	_ =	swait.ge [sflag:s26], $0x2000  }
0xa9: {  	[sflag:s26] =	ssyncset.done $0x0  }
0xaa: {  	s14 =	sadd.s32 $0x1400, s11;
	[sflag:s26] =	ssyncadd.s32 $0xFFFFE000  }
0xab: {  	[spmem:s2] =	stream.indirect.scatter.add.f32 [tilespmem:s18], [sflag:$0x5], $0x80, s14, s21, $0xb8;
	[tilespmem:$0x1E800] =	vst v63  }
0xac: {  	_ =	swait.ge [sflag:s28], $0x2000  }
0xad: {  	[sflag:s28] =	ssyncset.done $0x0  }
0xae: {  	s13 =	sadd.s32 $0x1480, s11;
	[sflag:s28] =	ssyncadd.s32 $0xFFFFE000  }
0xaf: {  	[spmem:s2] =	stream.indirect.scatter.add.f32 [tilespmem:s22], [sflag:$0x6], $0x80, s13, s21, $0xb8;
	[tilespmem:$0x1E800] =	vst v63  }
0xb0: {  	_ =	swait.ge [sflag:s29], $0x2000  }
0xb1: {  	[sflag:s29] =	ssyncset.done $0x0  }
0xb2: {  	s14 =	sadd.s32 $0x1500, s11;
	[sflag:s29] =	ssyncadd.s32 $0xFFFFE000  }
0xb3: {  	[spmem:s2] =	stream.indirect.scatter.add.f32 [tilespmem:s23], [sflag:$0x7], $0x80, s14, s21, $0xb8;
	[tilespmem:$0x1E800] =	vst v63  }
0xb4: {  	_ =	swait.ge [sflag:s30], $0x2000  }
0xb5: {  	[sflag:s30] =	ssyncset.done $0x0  }
0xb6: {  	s11 =	sadd.s32 $0x1580, s11;
	[sflag:s30] =	ssyncadd.s32 $0xFFFFE000  }
0xb7: {  	[spmem:s2] =	stream.indirect.scatter.add.f32 [tilespmem:s25], [sflag:$0x8], $0x80, s11, s21, $0xb8;
	[tilespmem:$0x1E800] =	vst v63  }
0xb8: {  	_ =	swait.ge [sflag:s31], $0x2000  }
0xb9: {  	[sflag:s31] =	ssyncset.done $0x0  }
0xba: {  	[sflag:s31] =	ssyncadd.s32 $0xFFFFE000  }
0xbb: {  	_ =	swait.ge [sflag:s1], $0x2000  }
0xbc: {  	[sflag:s1] =	ssyncset.done $0x0  }
0xbd: {  	s10 =	sadd.s32 $0x1, s10;
	[sflag:s1] =	ssyncadd.s32 $0xFFFFE000  }
0xbe: {  	p0 =	sne.s32 s10, $0x4;
	_ =	swait.ge [sflag:s0], $0x2000  }
.Ltmp2:
0xbf: {  	[sflag:s0] =	ssyncset.done $0x0;
	(pc) =	sbr.rel @p0 .LBB2_4-.Ltmp2, $4  }
0xc0: {  	[sflag:s0] =	ssyncadd.s32 $0xFFFFE000  }
0xc1: {  	_ =	swait.ge [sflag:s8], $0x2000  }
0xc2: {  	[sflag:s8] =	ssyncset.done $0x0  }
0xc3: {  	[sflag:s8] =	ssyncadd.s32 $0xFFFFE000  }
0xc4: {  	s9 =	stileid.u32  }
0xc5: {  	s9 =	sshll.u32 s9, $0x6  }
0xc6: {  	[bflag:$0x0] =	sbarrier.arrive $0xFFFF;
	s10 =	sshrl.u32 s5, $0x3;
	s9 =	sor.u32 $0x1C09, s9  }
0xc7: {  	[hbm:s24], [sflag:s9] =	dma.local [spmem:s10], $0x2800  }
0xc8: {  	_ =	swait.ge [sflag:s19], $0x2800  }
0xc9: {  	s3 =	sadd.s32 $0x1, s3;
	s14 =	rddreg [dreg:$0x4]  }
0xca: {  	p0 =	sne.s32 s3, s14  }
.Ltmp3:
0xcb: {  	_ = 	snop;
	(pc) =	sbr.rel @p0 .LBB2_1-.Ltmp3, $3  }
0xcc: {  	_ =	sdelay $0x1  }
0xcd: {  	[sflag:s19] =	ssyncset.done $0x0  }
0xce: {  	[sflag:s19] =	ssyncadd.s32 $0xFFFFD800  }
0xcf: {  	_ =	sfence.sel $0x180000  }
0xd0: {  	[bflag:$0x0] =	sbarrier.arrive $0xFFFF  }
0xd1: {  	_ =	strace $0x9000004A  }
0xd2: {  	s0 =	stileid.u32;
	[bflag:$0x2] =	sbarrier.arrive $0xFFFF  }
0xd3: {  	p0 =	sne.s32 s0, $0x0;
	s0 =	rddreg [dreg:$0x3]  }
0xd4: {  	s0 =	sadd.s32 @!p0 $0x100000, s0  }
0xd5: {  	[sflag:s0] =	ssyncadd.tile.s32 @!p0 $0x1;
	_ =	shalt  }
.Lfunc_end2:
_tile_overlayer_lowered:
.L_overlay_start_2:
0xd6: {  	(tag) =	ssettag $0x2  }
0xd7: {  	s0 =	rddreg [dreg:$0x0];
	s2 =	stileid.u32  }
0xd8: {  	s1 =	rddreg [dreg:$0x1];
	p0 =	sne.s32 s2, $0x0  }
0xd9: {  	s3 =	rddreg [dreg:$0x2];
	[bflag:$0x3] =	sbarrier.arrive $0xFFFF;
	s2 =	simm.s32 @!p0 $0x1C09  }
0xda: {  	[timem:s3], [sflag:s2] =	dma.local @!p0 [hbm:s0], s1  }
0xdb: {  	s0 =	simm.s32 @!p0 $0x9  }
0xdc: {  	_ =	swait.ge @!p0 [sflag:s0], s1  }
0xdd: {  	s1 =	ssub.s32 @!p0 $0x0, s1;
	[sflag:s0] =	ssyncset.done @!p0 $0x0  }
0xde: {  	[sflag:s0] =	ssyncadd.s32 @!p0 s1  }
0xdf: {  	[bflag:$0x3] =	sbarrier.arrive $0xFFFF  }
0xe0: {  	_ =	shalt  }

// kernel: kernel.14.cloned.1.call-start
scs
__scs_entry_jumppad:
0x0: {  	(pc) =	sbr.rel $0x88, $3  }
0x1: {  	(tag) =	ssettag $0x0;
	lr =	simm.s32 $0x1  }
0x2: {  	[smem:$0x3F9B] =	sst lr;
	_ =	strace $0xD0000000  }
0x3: {  	_ = 	snop  }
0x4: {  	_ = 	snop  }
0x5: {  	_ = 	snop  }
0x6: {  	_ = 	snop  }
0x7: {  	_ = 	snop  }
__scs_overlays_trampoline_lowered:
0x8: {  	[smem:$0x3FAA] =	sst s0  }
0x9: {  	[smem:$0x3FAB] =	sst s1  }
0xa: {  	[smem:$0x3FAC] =	sst s2  }
0xb: {  	[smem:$0x3FAD] =	sst s3  }
0xc: {  	[smem:$0x3FAE] =	sst s4  }
0xd: {  	[smem:$0x3FAF] =	sst s5  }
0xe: {  	[smem:$0x3FB0] =	sst s6  }
0xf: {  	[smem:$0x3FB1] =	sst s7  }
0x10: {  	[smem:$0x3FB2] =	sst s8  }
0x11: {  	[smem:$0x3FB3] =	sst s9;
	s0 =	simm.s32 @!p0 $0x0  }
0x12: {  	s1 =	sld [smem:$0x3F99];
	s0 =	simm.s32 @p0 $0x1  }
0x13: {  	[smem:$0x3FB4] =	sst s0;
	s0 =	simm.s32 @!p1 $0x0  }
0x14: {  	s2 =	sld [smem:$0x3F98];
	s0 =	simm.s32 @p1 $0x1  }
0x15: {  	[smem:$0x3FB5] =	sst s0;
	s0 =	simm.s32 @!p2 $0x0  }
0x16: {  	s3 =	sld [smem:$0x3FDB];
	s0 =	simm.s32 @p2 $0x1  }
0x17: {  	s4 =	simm.s32 $0x1BF5;
	[smem:$0x3FB7] =	sst s0  }
0x18: {  	s0 =	sld [smem:$0x3F9A];
	_ =	swait.ge [sflag:s4], $0x0  }
0x19: {  	s7 =	sld [smem:$0x3F9B]  }
0x1a: {  	s8 =	sadd.s32 $0xFFFFE003, lr  }
0x1b: {  	s9 =	sadd.s32 $0xFFFFFEF7, lr;
	s5 =	simm.s32 $0xFFFFFFFF;
	p2 =	slt.u32 s8, $0xFFFFF086  }
0x1c: {  	p1 =	slt.u32 s9, $0xF7A;
	s5 =	simm.s32 @!p2 $0x0  }
0x1d: {  	s5 =	simm.s32 @p1 $0x1;
	p0 =	seq.s32 s7, s2  }
0x1e: {  	s7 =	smul.u32 @!p0 $0xF7A, s2;
	p2 =	seq.s32 @!p0 s5, $0x0  }
0x1f: {  	s9 =	smul.u32 $0xF7A, s1;
	s8 =	simm.s32 @!p0 $0x1BF5;
	p2 =	por !p2, p0  }
0x20: {  	[sflag:s8] =	ssyncset.s32 @!p0 $0xFFFFF086;
	s6 =	sadd.s32 @!p0 s3, s7;
	s7 =	simm.s32 @!p0 $0x108  }
0x21: {  	s3 =	sadd.s32 s3, s9;
	s6 =	sadd.s32 @!p0 $0x88, s6;
	s7 =	simm.s32 @p2 $0x1082  }
0x22: {  	[simem:s7], [sflag:s8] =	dma.local @!p0 [hbm:s6], $0xF7A  }
0x23: {  	s9 =	sor.u32 $0xD0000000, s2;
	s6 =	simm.s32 $0x108;
	_ =	swait.ge @!p0 [sflag:s8], $0x0  }
0x24: {  	s3 =	sadd.s32 $0x88, s3;
	s6 =	simm.s32 @!p1 $0x1082;
	[sflag:s4] =	ssyncset.s32 $0xFFFFF086  }
0x25: {  	[simem:s6], [sflag:s4] =	dma.local [hbm:s3], $0xF7A  }
0x26: {  	[smem:$0x3F9B] =	sst s1;
	(tag) =	ssettag s2;
	_ =	strace s9  }
0x27: {  	s1 =	sld [smem:$0x3FAB]  }
0x28: {  	s2 =	sld [smem:$0x3FAC]  }
0x29: {  	s4 =	sld [smem:$0x3FAE]  }
0x2a: {  	p0 =	seq.s32 s5, $0x0;
	s5 =	sld [smem:$0x3FAF]  }
0x2b: {  	s6 =	sld [smem:$0x3FB0]  }
0x2c: {  	s7 =	sld [smem:$0x3FB1]  }
0x2d: {  	s3 =	simm.s32 $0x108;
	s8 =	sld [smem:$0x3FB2]  }
0x2e: {  	s3 =	simm.s32 @!p0 $0x1082;
	s9 =	sld [smem:$0x3FB3]  }
0x2f: {  	lr =	sadd.s32 s0, s3;
	s0 =	sld [smem:$0x3FAA]  }
0x30: {  	s3 =	sld [smem:$0x3FAD]  }
0x31: {  	[smem:$0x3FB6] =	sst s10  }
0x32: {  	s10 =	sld [smem:$0x3FB4];
	_ =	sdelay $0x3  }
0x33: {  	p0 =	seq.s32 s10, $0x1;
	s10 =	sld [smem:$0x3FB6];
	_ =	sdelay $0x3  }
0x34: {  	[smem:$0x3FB6] =	sst s10  }
0x35: {  	s10 =	sld [smem:$0x3FB5];
	_ =	sdelay $0x3  }
0x36: {  	p1 =	seq.s32 s10, $0x1;
	s10 =	sld [smem:$0x3FB6];
	_ =	sdelay $0x3  }
0x37: {  	[smem:$0x3FB6] =	sst s10  }
0x38: {  	s10 =	sld [smem:$0x3FB7]  }
0x39: {  	_ = 	snop;
	(pc) =	sbr.ind lr, $3  }
0x3a: {  	_ = 	snop  }
0x3b: {  	_ = 	snop  }
0x3c: {  	p2 =	seq.s32 s10, $0x1;
	s10 =	sld [smem:$0x3FB6]  }
0x3d: {  	_ =	shalt  }
0x3e: {  	_ =	shalt  }
0x3f: {  	_ =	shalt  }
0x40: {  	_ =	shalt  }
0x41: {  	_ =	shalt  }
0x42: {  	_ =	shalt  }
0x43: {  	_ =	shalt  }
0x44: {  	_ =	shalt  }
0x45: {  	_ =	shalt  }
0x46: {  	_ =	shalt  }
0x47: {  	_ =	shalt  }
0x48: {  	_ =	shalt  }
0x49: {  	_ =	shalt  }
0x4a: {  	_ =	shalt  }
0x4b: {  	_ =	shalt  }
0x4c: {  	_ =	shalt  }
0x4d: {  	_ =	shalt  }
0x4e: {  	_ =	shalt  }
0x4f: {  	_ =	shalt  }
0x50: {  	_ =	shalt  }
0x51: {  	_ =	shalt  }
0x52: {  	_ =	shalt  }
0x53: {  	_ =	shalt  }
0x54: {  	_ =	shalt  }
0x55: {  	_ =	shalt  }
0x56: {  	_ =	shalt  }
0x57: {  	_ =	shalt  }
0x58: {  	_ =	shalt  }
0x59: {  	_ =	shalt  }
0x5a: {  	_ =	shalt  }
0x5b: {  	_ =	shalt  }
0x5c: {  	_ =	shalt  }
0x5d: {  	_ =	shalt  }
0x5e: {  	_ =	shalt  }
0x5f: {  	_ =	shalt  }
0x60: {  	_ =	shalt  }
0x61: {  	_ =	shalt  }
0x62: {  	_ =	shalt  }
0x63: {  	_ =	shalt  }
0x64: {  	_ =	shalt  }
0x65: {  	_ =	shalt  }
0x66: {  	_ =	shalt  }
0x67: {  	_ =	shalt  }
0x68: {  	_ =	shalt  }
0x69: {  	_ =	shalt  }
0x6a: {  	_ =	shalt  }
0x6b: {  	_ =	shalt  }
0x6c: {  	_ =	shalt  }
0x6d: {  	_ =	shalt  }
0x6e: {  	_ =	shalt  }
0x6f: {  	_ =	shalt  }
0x70: {  	_ =	shalt  }
0x71: {  	_ =	shalt  }
0x72: {  	_ =	shalt  }
0x73: {  	_ =	shalt  }
0x74: {  	_ =	shalt  }
0x75: {  	_ =	shalt  }
0x76: {  	_ =	shalt  }
0x77: {  	_ =	shalt  }
0x78: {  	_ =	shalt  }
0x79: {  	_ =	shalt  }
0x7a: {  	_ =	shalt  }
0x7b: {  	_ =	shalt  }
0x7c: {  	_ =	shalt  }
0x7d: {  	_ =	shalt  }
0x7e: {  	_ =	shalt  }
0x7f: {  	_ =	shalt  }
0x80: {  	_ =	shalt  }
0x81: {  	_ =	shalt  }
0x82: {  	_ =	shalt  }
0x83: {  	_ =	shalt  }
0x84: {  	_ =	shalt  }
0x85: {  	_ =	shalt  }
0x86: {  	_ =	shalt  }
0x87: {  	_ =	shalt  }
.Lfunc_end0:
.L_simem_size_0:
called_computation.2_lowered:
.L_overlay_start_0:
0x88: {  	s2 =	sld [smem:$0x3FD9]  }
0x89: {  	s3 =	sld [smem:$0x3FFE];
	_ =	sdelay $0x1  }
0x8a: {  	s1 =	srdreg.scid  }
0x8b: {  	s0 =	sand.u32 $0x1, s1  }
0x8c: {  	s17 =	sshll.u32 s0, $0xA;
	s2 =	sadd.s32 s3, s2  }
0x8d: {  	s2 =	sadd.s32 s2, s17  }
0x8e: {  	[smem:$0x3FC2] =	sst s2  }
0x8f: {  	_ = 	snop  }
0x90: {  	s2 =	sld [smem:$0x3FD0];
	(tm) =	ssettm $0x1  }
0x91: {  	s18 =	sld [smem:$0x3FFB];
	_ =	sdelay $0x3  }
0x92: {  	_ =	strace s18  }
0x93: {  	s3 =	sld [smem:$0x3FFC];
	_ =	sdelay $0x3  }
0x94: {  	_ =	strace s3  }
0x95: {  	s3 =	sld [smem:$0x3FFD];
	_ =	sdelay $0x3  }
0x96: {  	_ =	strace s3  }
0x97: {  	_ =	strace $0x8FFFFFFF  }
0x98: {  	s19 =	sld [smem:$0x3FDB];
	_ =	sdelay $0x1  }
0x99: {  	s4 =	simm.s32 $_scs_section_size  }
0x9a: {  	s5 =	simm.s32 $_size__tile_overlayer_lowered;
	s6 =	simm.s32 $_tile_overlayer_lowered  }
0x9b: {  	s22 =	simm.s32 $0x1BFF;
	s21 =	sshll.u32 s6, $0x1;
	s3 =	sadd.s32 s4, s19  }
0x9c: {  	s7 =	simm.s32 $0x0;
	s20 =	sshll.u32 s5, $0x1;
	s5 =	sadd.s32 s21, s3  }
0x9d: {  	[timem:s7], [sflag:s22] =	dma.local [hbm:s5], s20  }
0x9e: {  	_ =	swait.ge [sflag:s22], s20  }
0x9f: {  	s4 =	ssub.s32 $0x0, s20;
	[sflag:s22] =	ssyncset.done $0x0  }
0xa0: {  	[sflag:s22] =	ssyncadd.s32 s4;
	_ =	sdelay $0x1  }
0xa1: {  	s23 =	simm.s32 $0x1B8B  }
0xa2: {  	_ =	swait.ge [sflag:s23], $0x1  }
0xa3: {  	[sflag:s23] =	ssyncset.done $0x0  }
0xa4: {  	s25 =	simm.s32 $0x1B8E;
	s24 =	sld [smem:$0x3FFE];
	[sflag:s23] =	ssyncadd.s32 $0xFFFFFFFF  }
0xa5: {  	s26 =	simm.s32 $execute0_lowered;
	[smem:$0x3FD2] =	sst s25  }
0xa6: {  	s5 =	sshll.u32 s26, $0x1;
	_ =	strace $0x8000004C;
	[dreg:$0x1] =	wrdreg $0xFFFFFFFF  }
0xa7: {  	s28 =	simm.s32 $_size_execute0_lowered;
	s3 =	sadd.s32 s3, s5;
	[dreg:$0x0] =	wrdreg $0x0  }
0xa8: {  	s5 =	sshll.u32 s28, $0x1;
	[dreg:$0x2] =	wrdreg s3  }
0xa9: {  	[dreg:$0x3] =	wrdreg s5  }
0xaa: {  	[dreg:$0x4] =	wrdreg $0xC0  }
0xab: {  	_ =	task [dreg:s7], $0x5FFFF  }
0xac: {  	[dreg:$0x1] =	wrdreg $0xFFFFFFFF  }
0xad: {  	[dreg:$0x0] =	wrdreg $0x60  }
0xae: {  	[dreg:$0x2] =	wrdreg s24  }
0xaf: {  	[dreg:$0x3] =	wrdreg s2  }
0xb0: {  	[dreg:$0x4] =	wrdreg $0xA8000  }
0xb1: {  	[dreg:$0x5] =	wrdreg $0x9  }
0xb2: {  	_ =	task.clear_ibuf [dreg:s7], $0x6FFFF;
	_ =	strace $0x9000004C  }
0xb3: {  	s29 =	simm.s32 $0x9;
	_ =	strace $0x8000004E  }
0xb4: {  	_ =	swait.ge [sflag:s29], $0x1  }
0xb5: {  	[sflag:s29] =	ssyncadd.s32 $0xFFFFFFFF  }
0xb6: {  	_ =	strace $0x9000004E  }
0xb7: {  	_ =	sfence  }
0xb8: {  	s30 =	sld [smem:$0x0];
	_ =	sdelay $0x2  }
0xb9: {  	s31 =	sshll.u32 s1, $0xD;
	s1 =	sshrl.u32 s1, $0x2  }
0xba: {  	s3 =	sand.u32 $0x4000, s31;
	s1 =	sadd.s32 s1, s30  }
0xbb: {  	s0 =	sor.u32 s3, s0;
	s1 =	sshll.u32 s1, $0x11  }
0xbc: {  	s0 =	sor.u32 s1, s0  }
0xbd: {  	s0 =	sadd.s32 $0x8F2B, s0  }
0xbe: {  	[sflag:s0] =	ssyncadd.remote.s32 $0x1  }
0xbf: {  	_ =	sfence.sel $0xFFFF  }
0xc0: {  	[dreg:$0x0] =	wrdreg $0xFFFFFFFF;
	(pc) =	sbr.abs _section_cstart, $3  }
0xc1: {  	[dreg:$0x1] =	wrdreg $0xFFFFFFFF  }
0xc2: {  	_ =	task.clear_ibuf [dreg:s7], $0x2FFFF;
	_ =	strace $0x9FFFFFFF  }
0xc3: {  	(tm) =	ssettm $0x7FFFFFFF  }
tec
execute0_lowered:
.L_overlay_start_1:
0x0: {  	(tag) =	ssettag $0x1  }
0x1: {  	s0 =	rddreg [dreg:$0x0]  }
0x2: {  	s1 =	rddreg [dreg:$0x1];
	s3 =	srdreg.scid  }
0x3: {  	s11 =	stileid.u32;
	s2 =	rddreg [dreg:$0x2]  }
0x4: {  	s18 =	simm.s32 $0x2800;
	s19 =	simm.s32 $0x9;
	s20 =	simm.s32 $0x1400  }
0x5: {  	s28 =	simm.s32 $0x2;
	s29 =	simm.s32 $0x3;
	s30 =	simm.s32 $0x4  }
0x6: {  	s31 =	simm.s32 $0x5;
	s5 =	sand.u32 $0x1, s3;
	s7 =	smul.u32 $0x50000, s11  }
0x7: {  	s4 =	sshll.u32 s11, $0x1;
	s3 =	simm.s32 $0x0;
	s14 =	smul.u32 $0x2800, s11  }
0x8: {  	s4 =	sor.u32 s5, s4;
	[smem:$0x7FF] =	sst s3;
	s8 =	smul.u32 $0x28000, s5  }
0x9: {  	s5 =	ssub.s32 $0x2, s5;
	s6 =	smul.u32 $0xA00, s4;
	_ =	strace $0x8000004D  }
0xa: {  	s4 =	sadd.s32 $0x2A400, s0;
	s10 =	sshrl.u32 s5, $0x1;
	s7 =	sshrl.u32 s7, $0x2  }
0xb: {  	s13 =	ssub.s32 s5, s10;
	s5 =	sadd.s32 s7, s2;
	s9 =	sadd.s32 s6, s0  }
0xc: {  	s0 =	sadd.s32 s8, s0;
	s6 =	sadd.s32 s1, s6;
	s8 =	smax.u32 s13, $0x1  }
0xd: {  	s21 =	sadd.s32 $0x2000, s5;
	s22 =	sadd.s32 $0x4000, s5;
	[dreg:$0x4] =	wrdreg s8  }
0xe: {  	s23 =	sadd.s32 $0x6000, s5;
	s24 =	sadd.s32 $0x8000, s5;
	[dreg:$0x5] =	wrdreg s21  }
0xf: {  	s25 =	sadd.s32 $0xA000, s5;
	s26 =	sadd.s32 $0xC000, s5;
	[dreg:$0x6] =	wrdreg s22  }
0x10: {  	s15 =	sadd.s32 $0xE000, s5;
	s16 =	sadd.s32 $0x10000, s5;
	[dreg:$0x7] =	wrdreg s23  }
0x11: {  	s17 =	sadd.s32 $0x12000, s5;
	s1 =	simm.s32 $0x6;
	[dreg:$0x8] =	wrdreg s24  }
0x12: {  	s7 =	sadd.s32 $0x16400, s9;
	s0 =	sadd.s32 $0x52400, s0;
	[dreg:$0x9] =	wrdreg s25  }
0x13: {  	[dreg:$0xa] =	wrdreg s26;
	s21 =	simm.s32 $0x40;
	s22 =	simm.s32 $0x4800  }
0x14: {  	s23 =	simm.s32 $0x6800;
	s25 =	simm.s32 $0x8800;
	s26 =	simm.s32 $0x1  }
0x15: {  	v0 =	vimm.f32 $0.0e+00;
	s8 =	simm.s32 $0x8;
	s24 =	sadd.s32 s14, s0;
	s0 =	simm.s32 $0x7  }
.LBB2_1:
0x16: {  	s9 =	simm.s32 $0x0;
	s10 =	simm.s32 $0x200  }
.LBB2_2:
0x17: {  	p0 =	sne.s32 s10, $0x7E00;
	[tilespmem:s9+$0x2870] =	vst v0  }
0x18: {  	[tilespmem:s9+$0x2800] =	vst v0  }
0x19: {  	[tilespmem:s9+$0x2810] =	vst v0  }
.Ltmp0:
0x1a: {  	[tilespmem:s9+$0x2820] =	vst v0;
	(pc) =	sbr.rel @p0 .LBB2_2-.Ltmp0, $4  }
0x1b: {  	[tilespmem:s9+$0x2830] =	vst v0  }
0x1c: {  	[tilespmem:s9+$0x2840] =	vst v0  }
0x1d: {  	[tilespmem:s9+$0x2850] =	vst v0  }
0x1e: {  	[tilespmem:s9+$0x2860] =	vst v0;
	s9 =	sshra.s32 s10, $0x2;
	s10 =	sadd.s32 $0x200, s10  }
0x1f: {  	[tilespmem:s9+$0x2870] =	vst v0  }
0x20: {  	[tilespmem:s9+$0x2800] =	vst v0  }
0x21: {  	[tilespmem:s9+$0x2810] =	vst v0  }
0x22: {  	[tilespmem:s9+$0x2820] =	vst v0  }
0x23: {  	[tilespmem:s9+$0x2830] =	vst v0  }
0x24: {  	[tilespmem:s9+$0x2840] =	vst v0  }
0x25: {  	[tilespmem:s9+$0x2850] =	vst v0  }
0x26: {  	[tilespmem:s9+$0x2860] =	vst v0  }
0x27: {  	[spmem:s5] =	stream.linear.scatter [tilespmem:s18], [sflag:$0x9], $0x2000, $0x38;
	[tilespmem:$0x1E800] =	vst v63  }
0x28: {  	_ =	swait.ge [sflag:s19], $0x2000  }
0x29: {  	[sflag:s19] =	ssyncset.done $0x0  }
0x2a: {  	s14 =	rddreg [dreg:$0x5];
	[sflag:s19] =	ssyncadd.s32 $0xFFFFE000  }
0x2b: {  	[spmem:s14] =	stream.linear.scatter [tilespmem:s18], [sflag:$0x9], $0x2000, $0x38;
	[tilespmem:$0x1E800] =	vst v63  }
0x2c: {  	_ =	swait.ge [sflag:s19], $0x2000  }
0x2d: {  	[sflag:s19] =	ssyncset.done $0x0  }
0x2e: {  	s10 =	rddreg [dreg:$0x6];
	[sflag:s19] =	ssyncadd.s32 $0xFFFFE000  }
0x2f: {  	[spmem:s10] =	stream.linear.scatter [tilespmem:s18], [sflag:$0x9], $0x2000, $0x38;
	[tilespmem:$0x1E800] =	vst v63  }
0x30: {  	_ =	swait.ge [sflag:s19], $0x2000  }
0x31: {  	[sflag:s19] =	ssyncset.done $0x0  }
0x32: {  	s11 =	rddreg [dreg:$0x7];
	[sflag:s19] =	ssyncadd.s32 $0xFFFFE000  }
0x33: {  	[spmem:s11] =	stream.linear.scatter [tilespmem:s18], [sflag:$0x9], $0x2000, $0x38;
	[tilespmem:$0x1E800] =	vst v63  }
0x34: {  	_ =	swait.ge [sflag:s19], $0x2000  }
0x35: {  	[sflag:s19] =	ssyncset.done $0x0  }
0x36: {  	s12 =	rddreg [dreg:$0x8];
	[sflag:s19] =	ssyncadd.s32 $0xFFFFE000  }
0x37: {  	[spmem:s12] =	stream.linear.scatter [tilespmem:s18], [sflag:$0x9], $0x2000, $0x38;
	[tilespmem:$0x1E800] =	vst v63  }
0x38: {  	_ =	swait.ge [sflag:s19], $0x2000  }
0x39: {  	[sflag:s19] =	ssyncset.done $0x0  }
0x3a: {  	s13 =	rddreg [dreg:$0x9];
	[sflag:s19] =	ssyncadd.s32 $0xFFFFE000  }
0x3b: {  	[spmem:s13] =	stream.linear.scatter [tilespmem:s18], [sflag:$0x9], $0x2000, $0x38;
	[tilespmem:$0x1E800] =	vst v63  }
0x3c: {  	_ =	swait.ge [sflag:s19], $0x2000  }
0x3d: {  	[sflag:s19] =	ssyncset.done $0x0  }
0x3e: {  	s14 =	rddreg [dreg:$0xa];
	[sflag:s19] =	ssyncadd.s32 $0xFFFFE000  }
0x3f: {  	[spmem:s14] =	stream.linear.scatter [tilespmem:s18], [sflag:$0x9], $0x2000, $0x38;
	[tilespmem:$0x1E800] =	vst v63  }
0x40: {  	_ =	swait.ge [sflag:s19], $0x2000  }
0x41: {  	[sflag:s19] =	ssyncset.done $0x0  }
0x42: {  	[sflag:s19] =	ssyncadd.s32 $0xFFFFE000  }
0x43: {  	[spmem:s15] =	stream.linear.scatter [tilespmem:s18], [sflag:$0x9], $0x2000, $0x38;
	[tilespmem:$0x1E800] =	vst v63  }
0x44: {  	_ =	swait.ge [sflag:s19], $0x2000  }
0x45: {  	[sflag:s19] =	ssyncset.done $0x0  }
0x46: {  	[sflag:s19] =	ssyncadd.s32 $0xFFFFE000  }
0x47: {  	[spmem:s16] =	stream.linear.scatter [tilespmem:s18], [sflag:$0x9], $0x2000, $0x38;
	[tilespmem:$0x1E800] =	vst v63  }
0x48: {  	_ =	swait.ge [sflag:s19], $0x2000  }
0x49: {  	[sflag:s19] =	ssyncset.done $0x0  }
0x4a: {  	[sflag:s19] =	ssyncadd.s32 $0xFFFFE000  }
0x4b: {  	[spmem:s17] =	stream.linear.scatter [tilespmem:s18], [sflag:$0x9], $0x2000, $0x38;
	[tilespmem:$0x1E800] =	vst v63  }
0x4c: {  	_ =	swait.ge [sflag:s19], $0x2000  }
0x4d: {  	[sflag:s19] =	ssyncset.done $0x0  }
0x4e: {  	[sflag:s19] =	ssyncadd.s32 $0xFFFFE000  }
0x4f: {  	s9 =	simm.s32 $0x0;
	s10 =	simm.s32 $0x0;
	[bflag:$0x0] =	sbarrier.arrive $0xFFFF  }
.LBB2_4:
0x50: {  	s11 =	smul.u32 $0x280, s10;
	_ =	sdelay $0x1  }
0x51: {  	s12 =	sadd.s32 s11, s6  }
0x52: {  	[tilespmem:s9], [sflag:$0x9] =	stream.linear.gather [hbm4b:s12+s9], $0x1400, $0x38;
	[tilespmem:$0x1E800] =	vst v63  }
0x53: {  	_ =	swait.ge [sflag:s19], $0x1400  }
0x54: {  	[sflag:s19] =	ssyncset.done $0x0  }
0x55: {  	s11 =	sadd.s32 s11, s7;
	[sflag:s19] =	ssyncadd.s32 $0xFFFFEC00  }
0x56: {  	[tilespmem:s20], [sflag:$0x9] =	stream.linear.gather [hbm4b:s11+s9], $0x1400, $0x38;
	[tilespmem:$0x1E800] =	vst v63  }
0x57: {  	_ =	swait.ge [sflag:s19], $0x1400  }
0x58: {  	[sflag:s19] =	ssyncset.done $0x0  }
0x59: {  	s13 =	simm.s32 $0x0;
	[sflag:s19] =	ssyncadd.s32 $0xFFFFEC00  }
0x5a: {  	[tilespmem:s18], [sflag:$0x1] =	stream.indirect.gather [hbm4b:s4+s21], $0x80, s13, s21, $0xb8;
	[tilespmem:$0x1E800] =	vst v63  }
0x5b: {  	s14 =	simm.s32 $0x80  }
0x5c: {  	[tilespmem:s22], [sflag:$0x2] =	stream.indirect.gather [hbm4b:s4+s21], $0x80, s14, s21, $0xb8;
	[tilespmem:$0x1E800] =	vst v63  }
0x5d: {  	s12 =	simm.s32 $0x100  }
0x5e: {  	[tilespmem:s23], [sflag:$0x3] =	stream.indirect.gather [hbm4b:s4+s21], $0x80, s12, s21, $0xb8;
	[tilespmem:$0x1E800] =	vst v63  }
0x5f: {  	s13 =	simm.s32 $0x180  }
0x60: {  	[tilespmem:s25], [sflag:$0x4] =	stream.indirect.gather [hbm4b:s4+s21], $0x80, s13, s21, $0xb8;
	[tilespmem:$0x1E800] =	vst v63  }
0x61: {  	_ =	swait.ge [sflag:s26], $0x2000  }
0x62: {  	[sflag:s26] =	ssyncset.done $0x0  }
0x63: {  	s14 =	simm.s32 $0x1400;
	[sflag:s26] =	ssyncadd.s32 $0xFFFFE000  }
0x64: {  	[spmem:s2] =	stream.indirect.scatter.add.f32 [tilespmem:s18], [sflag:$0x5], $0x80, s14, s21, $0xb8;
	[tilespmem:$0x1E800] =	vst v63  }
0x65: {  	_ =	swait.ge [sflag:s28], $0x2000  }
0x66: {  	[sflag:s28] =	ssyncset.done $0x0  }
0x67: {  	s12 =	simm.s32 $0x1480;
	[sflag:s28] =	ssyncadd.s32 $0xFFFFE000  }
0x68: {  	[spmem:s2] =	stream.indirect.scatter.add.f32 [tilespmem:s22], [sflag:$0x6], $0x80, s12, s21, $0xb8;
	[tilespmem:$0x1E800] =	vst v63  }
0x69: {  	_ =	swait.ge [sflag:s29], $0x2000  }
0x6a: {  	[sflag:s29] =	ssyncset.done $0x0  }
0x6b: {  	s13 =	simm.s32 $0x1500;
	[sflag:s29] =	ssyncadd.s32 $0xFFFFE000  }
0x6c: {  	[spmem:s2] =	stream.indirect.scatter.add.f32 [tilespmem:s23], [sflag:$0x7], $0x80, s13, s21, $0xb8;
	[tilespmem:$0x1E800] =	vst v63  }
0x6d: {  	_ =	swait.ge [sflag:s30], $0x2000  }
0x6e: {  	[sflag:s30] =	ssyncset.done $0x0  }
0x6f: {  	s14 =	simm.s32 $0x1580;
	[sflag:s30] =	ssyncadd.s32 $0xFFFFE000  }
0x70: {  	[spmem:s2] =	stream.indirect.scatter.add.f32 [tilespmem:s25], [sflag:$0x8], $0x80, s14, s21, $0xb8;
	[tilespmem:$0x1E800] =	vst v63  }
0x71: {  	_ =	swait.ge [sflag:s31], $0x2000  }
0x72: {  	[sflag:s31] =	ssyncset.done $0x0  }
0x73: {  	[sflag:s31] =	ssyncadd.s32 $0xFFFFE000  }
0x74: {  	_ =	swait.ge [sflag:s1], $0x2000  }
0x75: {  	[sflag:s1] =	ssyncset.done $0x0  }
0x76: {  	[sflag:s1] =	ssyncadd.s32 $0xFFFFE000  }
0x77: {  	_ =	swait.ge [sflag:s0], $0x2000  }
0x78: {  	[sflag:s0] =	ssyncset.done $0x0  }
0x79: {  	[sflag:s0] =	ssyncadd.s32 $0xFFFFE000  }
0x7a: {  	_ =	swait.ge [sflag:s8], $0x2000  }
0x7b: {  	s11 =	simm.s32 $0x800;
	s12 =	simm.s32 $0x1000;
	[sflag:s8] =	ssyncset.done $0x0  }
.LBB2_5:
0x7c: {  	s14 =	sshra.s32 s11, $0x2  }
0x7d: {  	[sflag:s8] =	ssyncadd.s32 $0xFFFFE000;
	s11 =	smov.u32 s12;
	s13 =	sadd.s32 $0x800, s12  }
0x7e: {  	[tilespmem:s18], [sflag:$0x1] =	stream.indirect.gather [hbm4b:s4+s21], $0x80, s14, s21, $0xb8;
	[tilespmem:$0x1E800] =	vst v63  }
0x7f: {  	p0 =	sne.s32 s12, $0x4800;
	s12 =	sadd.s32 $0x80, s14  }
0x80: {  	[tilespmem:s22], [sflag:$0x2] =	stream.indirect.gather [hbm4b:s4+s21], $0x80, s12, s21, $0xb8;
	[tilespmem:$0x1E800] =	vst v63  }
0x81: {  	s12 =	sadd.s32 $0x100, s14  }
0x82: {  	[tilespmem:s23], [sflag:$0x3] =	stream.indirect.gather [hbm4b:s4+s21], $0x80, s12, s21, $0xb8;
	[tilespmem:$0x1E800] =	vst v63  }
0x83: {  	s12 =	sadd.s32 $0x180, s14  }
0x84: {  	[tilespmem:s25], [sflag:$0x4] =	stream.indirect.gather [hbm4b:s4+s21], $0x80, s12, s21, $0xb8;
	[tilespmem:$0x1E800] =	vst v63  }
0x85: {  	_ =	swait.ge [sflag:s26], $0x2000  }
0x86: {  	[sflag:s26] =	ssyncset.done $0x0  }
0x87: {  	s12 =	sadd.s32 $0x1400, s14;
	[sflag:s26] =	ssyncadd.s32 $0xFFFFE000  }
0x88: {  	[spmem:s2] =	stream.indirect.scatter.add.f32 [tilespmem:s18], [sflag:$0x5], $0x80, s12, s21, $0xb8;
	[tilespmem:$0x1E800] =	vst v63  }
0x89: {  	_ =	swait.ge [sflag:s28], $0x2000  }
0x8a: {  	[sflag:s28] =	ssyncset.done $0x0  }
0x8b: {  	s12 =	sadd.s32 $0x1480, s14;
	[sflag:s28] =	ssyncadd.s32 $0xFFFFE000  }
0x8c: {  	[spmem:s2] =	stream.indirect.scatter.add.f32 [tilespmem:s22], [sflag:$0x6], $0x80, s12, s21, $0xb8;
	[tilespmem:$0x1E800] =	vst v63  }
0x8d: {  	_ =	swait.ge [sflag:s29], $0x2000  }
0x8e: {  	[sflag:s29] =	ssyncset.done $0x0  }
0x8f: {  	s12 =	sadd.s32 $0x1500, s14;
	[sflag:s29] =	ssyncadd.s32 $0xFFFFE000  }
0x90: {  	[spmem:s2] =	stream.indirect.scatter.add.f32 [tilespmem:s23], [sflag:$0x7], $0x80, s12, s21, $0xb8;
	[tilespmem:$0x1E800] =	vst v63  }
0x91: {  	_ =	swait.ge [sflag:s30], $0x2000  }
0x92: {  	[sflag:s30] =	ssyncset.done $0x0  }
0x93: {  	s12 =	sadd.s32 $0x1580, s14;
	[sflag:s30] =	ssyncadd.s32 $0xFFFFE000  }
0x94: {  	[spmem:s2] =	stream.indirect.scatter.add.f32 [tilespmem:s25], [sflag:$0x8], $0x80, s12, s21, $0xb8;
	[tilespmem:$0x1E800] =	vst v63  }
0x95: {  	_ =	swait.ge [sflag:s31], $0x2000  }
0x96: {  	[sflag:s31] =	ssyncset.done $0x0  }
0x97: {  	[sflag:s31] =	ssyncadd.s32 $0xFFFFE000  }
0x98: {  	_ =	swait.ge [sflag:s1], $0x2000  }
0x99: {  	[sflag:s1] =	ssyncset.done $0x0  }
0x9a: {  	[sflag:s1] =	ssyncadd.s32 $0xFFFFE000  }
.Ltmp1:
0x9b: {  	_ =	swait.ge [sflag:s0], $0x2000;
	(pc) =	sbr.rel @p0 .LBB2_5-.Ltmp1, $4  }
0x9c: {  	[sflag:s0] =	ssyncset.done $0x0  }
0x9d: {  	[sflag:s0] =	ssyncadd.s32 $0xFFFFE000  }
0x9e: {  	_ =	swait.ge [sflag:s8], $0x2000  }
0x9f: {  	s12 =	smov.u32 s13;
	[sflag:s8] =	ssyncset.done $0x0  }
0xa0: {  	s11 =	sshra.s32 s11, $0x2;
	[sflag:s8] =	ssyncadd.s32 $0xFFFFE000  }
0xa1: {  	[tilespmem:s18], [sflag:$0x1] =	stream.indirect.gather [hbm4b:s4+s21], $0x80, s11, s21, $0xb8;
	[tilespmem:$0x1E800] =	vst v63  }
0xa2: {  	s12 =	sadd.s32 $0x80, s11  }
0xa3: {  	[tilespmem:s22], [sflag:$0x2] =	stream.indirect.gather [hbm4b:s4+s21], $0x80, s12, s21, $0xb8;
	[tilespmem:$0x1E800] =	vst v63  }
0xa4: {  	s14 =	sadd.s32 $0x100, s11  }
0xa5: {  	[tilespmem:s23], [sflag:$0x3] =	stream.indirect.gather [hbm4b:s4+s21], $0x80, s14, s21, $0xb8;
	[tilespmem:$0x1E800] =	vst v63  }
0xa6: {  	s13 =	sadd.s32 $0x180, s11  }
0xa7: {  	[tilespmem:s25], [sflag:$0x4] =	stream.indirect.gather [hbm4b:s4+s21], $0x80, s13, s21, $0xb8;
	[tilespmem:$0x1E800] =	vst v63  }
0xa8: {  	_ =	swait.ge [sflag:s26], $0x2000  }
0xa9: {  	[sflag:s26] =	ssyncset.done $0x0  }
0xaa: {  	s14 =	sadd.s32 $0x1400, s11;
	[sflag:s26] =	ssyncadd.s32 $0xFFFFE000  }
0xab: {  	[spmem:s2] =	stream.indirect.scatter.add.f32 [tilespmem:s18], [sflag:$0x5], $0x80, s14, s21, $0xb8;
	[tilespmem:$0x1E800] =	vst v63  }
0xac: {  	_ =	swait.ge [sflag:s28], $0x2000  }
0xad: {  	[sflag:s28] =	ssyncset.done $0x0  }
0xae: {  	s13 =	sadd.s32 $0x1480, s11;
	[sflag:s28] =	ssyncadd.s32 $0xFFFFE000  }
0xaf: {  	[spmem:s2] =	stream.indirect.scatter.add.f32 [tilespmem:s22], [sflag:$0x6], $0x80, s13, s21, $0xb8;
	[tilespmem:$0x1E800] =	vst v63  }
0xb0: {  	_ =	swait.ge [sflag:s29], $0x2000  }
0xb1: {  	[sflag:s29] =	ssyncset.done $0x0  }
0xb2: {  	s14 =	sadd.s32 $0x1500, s11;
	[sflag:s29] =	ssyncadd.s32 $0xFFFFE000  }
0xb3: {  	[spmem:s2] =	stream.indirect.scatter.add.f32 [tilespmem:s23], [sflag:$0x7], $0x80, s14, s21, $0xb8;
	[tilespmem:$0x1E800] =	vst v63  }
0xb4: {  	_ =	swait.ge [sflag:s30], $0x2000  }
0xb5: {  	[sflag:s30] =	ssyncset.done $0x0  }
0xb6: {  	s11 =	sadd.s32 $0x1580, s11;
	[sflag:s30] =	ssyncadd.s32 $0xFFFFE000  }
0xb7: {  	[spmem:s2] =	stream.indirect.scatter.add.f32 [tilespmem:s25], [sflag:$0x8], $0x80, s11, s21, $0xb8;
	[tilespmem:$0x1E800] =	vst v63  }
0xb8: {  	_ =	swait.ge [sflag:s31], $0x2000  }
0xb9: {  	[sflag:s31] =	ssyncset.done $0x0  }
0xba: {  	[sflag:s31] =	ssyncadd.s32 $0xFFFFE000  }
0xbb: {  	_ =	swait.ge [sflag:s1], $0x2000  }
0xbc: {  	[sflag:s1] =	ssyncset.done $0x0  }
0xbd: {  	s10 =	sadd.s32 $0x1, s10;
	[sflag:s1] =	ssyncadd.s32 $0xFFFFE000  }
0xbe: {  	p0 =	sne.s32 s10, $0x4;
	_ =	swait.ge [sflag:s0], $0x2000  }
.Ltmp2:
0xbf: {  	[sflag:s0] =	ssyncset.done $0x0;
	(pc) =	sbr.rel @p0 .LBB2_4-.Ltmp2, $4  }
0xc0: {  	[sflag:s0] =	ssyncadd.s32 $0xFFFFE000  }
0xc1: {  	_ =	swait.ge [sflag:s8], $0x2000  }
0xc2: {  	[sflag:s8] =	ssyncset.done $0x0  }
0xc3: {  	[sflag:s8] =	ssyncadd.s32 $0xFFFFE000  }
0xc4: {  	s9 =	stileid.u32  }
0xc5: {  	s9 =	sshll.u32 s9, $0x6  }
0xc6: {  	[bflag:$0x0] =	sbarrier.arrive $0xFFFF;
	s10 =	sshrl.u32 s5, $0x3;
	s9 =	sor.u32 $0x1C09, s9  }
0xc7: {  	[hbm:s24], [sflag:s9] =	dma.local [spmem:s10], $0x2800  }
0xc8: {  	_ =	swait.ge [sflag:s19], $0x2800  }
0xc9: {  	s3 =	sadd.s32 $0x1, s3;
	s14 =	rddreg [dreg:$0x4]  }
0xca: {  	p0 =	sne.s32 s3, s14  }
.Ltmp3:
0xcb: {  	_ = 	snop;
	(pc) =	sbr.rel @p0 .LBB2_1-.Ltmp3, $3  }
0xcc: {  	_ =	sdelay $0x1  }
0xcd: {  	[sflag:s19] =	ssyncset.done $0x0  }
0xce: {  	[sflag:s19] =	ssyncadd.s32 $0xFFFFD800  }
0xcf: {  	_ =	sfence.sel $0x180000  }
0xd0: {  	[bflag:$0x0] =	sbarrier.arrive $0xFFFF  }
0xd1: {  	_ =	strace $0x9000004D  }
0xd2: {  	s0 =	stileid.u32;
	[bflag:$0x2] =	sbarrier.arrive $0xFFFF  }
0xd3: {  	p0 =	sne.s32 s0, $0x0;
	s0 =	rddreg [dreg:$0x3]  }
0xd4: {  	s0 =	sadd.s32 @!p0 $0x100000, s0  }
0xd5: {  	[sflag:s0] =	ssyncadd.tile.s32 @!p0 $0x1;
	_ =	shalt  }
.Lfunc_end2:
_tile_overlayer_lowered:
.L_overlay_start_2:
0xd6: {  	(tag) =	ssettag $0x2  }
0xd7: {  	s0 =	rddreg [dreg:$0x0];
	s2 =	stileid.u32  }
0xd8: {  	s1 =	rddreg [dreg:$0x1];
	p0 =	sne.s32 s2, $0x0  }
0xd9: {  	s3 =	rddreg [dreg:$0x2];
	[bflag:$0x3] =	sbarrier.arrive $0xFFFF;
	s2 =	simm.s32 @!p0 $0x1C09  }
0xda: {  	[timem:s3], [sflag:s2] =	dma.local @!p0 [hbm:s0], s1  }
0xdb: {  	s0 =	simm.s32 @!p0 $0x9  }
0xdc: {  	_ =	swait.ge @!p0 [sflag:s0], s1  }
0xdd: {  	s1 =	ssub.s32 @!p0 $0x0, s1;
	[sflag:s0] =	ssyncset.done @!p0 $0x0  }
0xde: {  	[sflag:s0] =	ssyncadd.s32 @!p0 s1  }
0xdf: {  	[bflag:$0x3] =	sbarrier.arrive $0xFFFF  }
0xe0: {  	_ =	shalt  }

// kernel: kernel.8.cloned.1.call-start
scs
__scs_entry_jumppad:
0x0: {  	(pc) =	sbr.rel $0x88, $3  }
0x1: {  	(tag) =	ssettag $0x0;
	lr =	simm.s32 $0x1  }
0x2: {  	[smem:$0x3F9B] =	sst lr;
	_ =	strace $0xD0000000  }
0x3: {  	_ = 	snop  }
0x4: {  	_ = 	snop  }
0x5: {  	_ = 	snop  }
0x6: {  	_ = 	snop  }
0x7: {  	_ = 	snop  }
__scs_overlays_trampoline_lowered:
0x8: {  	[smem:$0x3FAA] =	sst s0  }
0x9: {  	[smem:$0x3FAB] =	sst s1  }
0xa: {  	[smem:$0x3FAC] =	sst s2  }
0xb: {  	[smem:$0x3FAD] =	sst s3  }
0xc: {  	[smem:$0x3FAE] =	sst s4  }
0xd: {  	[smem:$0x3FAF] =	sst s5  }
0xe: {  	[smem:$0x3FB0] =	sst s6  }
0xf: {  	[smem:$0x3FB1] =	sst s7  }
0x10: {  	[smem:$0x3FB2] =	sst s8  }
0x11: {  	[smem:$0x3FB3] =	sst s9;
	s0 =	simm.s32 @!p0 $0x0  }
0x12: {  	s1 =	sld [smem:$0x3F99];
	s0 =	simm.s32 @p0 $0x1  }
0x13: {  	[smem:$0x3FB4] =	sst s0;
	s0 =	simm.s32 @!p1 $0x0  }
0x14: {  	s2 =	sld [smem:$0x3F98];
	s0 =	simm.s32 @p1 $0x1  }
0x15: {  	[smem:$0x3FB5] =	sst s0;
	s0 =	simm.s32 @!p2 $0x0  }
0x16: {  	s3 =	sld [smem:$0x3FDB];
	s0 =	simm.s32 @p2 $0x1  }
0x17: {  	s4 =	simm.s32 $0x1BF5;
	[smem:$0x3FB7] =	sst s0  }
0x18: {  	s0 =	sld [smem:$0x3F9A];
	_ =	swait.ge [sflag:s4], $0x0  }
0x19: {  	s7 =	sld [smem:$0x3F9B]  }
0x1a: {  	s8 =	sadd.s32 $0xFFFFE003, lr  }
0x1b: {  	s9 =	sadd.s32 $0xFFFFFEF7, lr;
	s5 =	simm.s32 $0xFFFFFFFF;
	p2 =	slt.u32 s8, $0xFFFFF086  }
0x1c: {  	p1 =	slt.u32 s9, $0xF7A;
	s5 =	simm.s32 @!p2 $0x0  }
0x1d: {  	s5 =	simm.s32 @p1 $0x1;
	p0 =	seq.s32 s7, s2  }
0x1e: {  	s7 =	smul.u32 @!p0 $0xF7A, s2;
	p2 =	seq.s32 @!p0 s5, $0x0  }
0x1f: {  	s9 =	smul.u32 $0xF7A, s1;
	s8 =	simm.s32 @!p0 $0x1BF5;
	p2 =	por !p2, p0  }
0x20: {  	[sflag:s8] =	ssyncset.s32 @!p0 $0xFFFFF086;
	s6 =	sadd.s32 @!p0 s3, s7;
	s7 =	simm.s32 @!p0 $0x108  }
0x21: {  	s3 =	sadd.s32 s3, s9;
	s6 =	sadd.s32 @!p0 $0x88, s6;
	s7 =	simm.s32 @p2 $0x1082  }
0x22: {  	[simem:s7], [sflag:s8] =	dma.local @!p0 [hbm:s6], $0xF7A  }
0x23: {  	s9 =	sor.u32 $0xD0000000, s2;
	s6 =	simm.s32 $0x108;
	_ =	swait.ge @!p0 [sflag:s8], $0x0  }
0x24: {  	s3 =	sadd.s32 $0x88, s3;
	s6 =	simm.s32 @!p1 $0x1082;
	[sflag:s4] =	ssyncset.s32 $0xFFFFF086  }
0x25: {  	[simem:s6], [sflag:s4] =	dma.local [hbm:s3], $0xF7A  }
0x26: {  	[smem:$0x3F9B] =	sst s1;
	(tag) =	ssettag s2;
	_ =	strace s9  }
0x27: {  	s1 =	sld [smem:$0x3FAB]  }
0x28: {  	s2 =	sld [smem:$0x3FAC]  }
0x29: {  	s4 =	sld [smem:$0x3FAE]  }
0x2a: {  	p0 =	seq.s32 s5, $0x0;
	s5 =	sld [smem:$0x3FAF]  }
0x2b: {  	s6 =	sld [smem:$0x3FB0]  }
0x2c: {  	s7 =	sld [smem:$0x3FB1]  }
0x2d: {  	s3 =	simm.s32 $0x108;
	s8 =	sld [smem:$0x3FB2]  }
0x2e: {  	s3 =	simm.s32 @!p0 $0x1082;
	s9 =	sld [smem:$0x3FB3]  }
0x2f: {  	lr =	sadd.s32 s0, s3;
	s0 =	sld [smem:$0x3FAA]  }
0x30: {  	s3 =	sld [smem:$0x3FAD]  }
0x31: {  	[smem:$0x3FB6] =	sst s10  }
0x32: {  	s10 =	sld [smem:$0x3FB4];
	_ =	sdelay $0x3  }
0x33: {  	p0 =	seq.s32 s10, $0x1;
	s10 =	sld [smem:$0x3FB6];
	_ =	sdelay $0x3  }
0x34: {  	[smem:$0x3FB6] =	sst s10  }
0x35: {  	s10 =	sld [smem:$0x3FB5];
	_ =	sdelay $0x3  }
0x36: {  	p1 =	seq.s32 s10, $0x1;
	s10 =	sld [smem:$0x3FB6];
	_ =	sdelay $0x3  }
0x37: {  	[smem:$0x3FB6] =	sst s10  }
0x38: {  	s10 =	sld [smem:$0x3FB7]  }
0x39: {  	_ = 	snop;
	(pc) =	sbr.ind lr, $3  }
0x3a: {  	_ = 	snop  }
0x3b: {  	_ = 	snop  }
0x3c: {  	p2 =	seq.s32 s10, $0x1;
	s10 =	sld [smem:$0x3FB6]  }
0x3d: {  	_ =	shalt  }
0x3e: {  	_ =	shalt  }
0x3f: {  	_ =	shalt  }
0x40: {  	_ =	shalt  }
0x41: {  	_ =	shalt  }
0x42: {  	_ =	shalt  }
0x43: {  	_ =	shalt  }
0x44: {  	_ =	shalt  }
0x45: {  	_ =	shalt  }
0x46: {  	_ =	shalt  }
0x47: {  	_ =	shalt  }
0x48: {  	_ =	shalt  }
0x49: {  	_ =	shalt  }
0x4a: {  	_ =	shalt  }
0x4b: {  	_ =	shalt  }
0x4c: {  	_ =	shalt  }
0x4d: {  	_ =	shalt  }
0x4e: {  	_ =	shalt  }
0x4f: {  	_ =	shalt  }
0x50: {  	_ =	shalt  }
0x51: {  	_ =	shalt  }
0x52: {  	_ =	shalt  }
0x53: {  	_ =	shalt  }
0x54: {  	_ =	shalt  }
0x55: {  	_ =	shalt  }
0x56: {  	_ =	shalt  }
0x57: {  	_ =	shalt  }
0x58: {  	_ =	shalt  }
0x59: {  	_ =	shalt  }
0x5a: {  	_ =	shalt  }
0x5b: {  	_ =	shalt  }
0x5c: {  	_ =	shalt  }
0x5d: {  	_ =	shalt  }
0x5e: {  	_ =	shalt  }
0x5f: {  	_ =	shalt  }
0x60: {  	_ =	shalt  }
0x61: {  	_ =	shalt  }
0x62: {  	_ =	shalt  }
0x63: {  	_ =	shalt  }
0x64: {  	_ =	shalt  }
0x65: {  	_ =	shalt  }
0x66: {  	_ =	shalt  }
0x67: {  	_ =	shalt  }
0x68: {  	_ =	shalt  }
0x69: {  	_ =	shalt  }
0x6a: {  	_ =	shalt  }
0x6b: {  	_ =	shalt  }
0x6c: {  	_ =	shalt  }
0x6d: {  	_ =	shalt  }
0x6e: {  	_ =	shalt  }
0x6f: {  	_ =	shalt  }
0x70: {  	_ =	shalt  }
0x71: {  	_ =	shalt  }
0x72: {  	_ =	shalt  }
0x73: {  	_ =	shalt  }
0x74: {  	_ =	shalt  }
0x75: {  	_ =	shalt  }
0x76: {  	_ =	shalt  }
0x77: {  	_ =	shalt  }
0x78: {  	_ =	shalt  }
0x79: {  	_ =	shalt  }
0x7a: {  	_ =	shalt  }
0x7b: {  	_ =	shalt  }
0x7c: {  	_ =	shalt  }
0x7d: {  	_ =	shalt  }
0x7e: {  	_ =	shalt  }
0x7f: {  	_ =	shalt  }
0x80: {  	_ =	shalt  }
0x81: {  	_ =	shalt  }
0x82: {  	_ =	shalt  }
0x83: {  	_ =	shalt  }
0x84: {  	_ =	shalt  }
0x85: {  	_ =	shalt  }
0x86: {  	_ =	shalt  }
0x87: {  	_ =	shalt  }
.Lfunc_end0:
.L_simem_size_0:
called_computation_lowered:
.L_overlay_start_0:
0x88: {  	s2 =	sld [smem:$0x3FD9]  }
0x89: {  	s3 =	sld [smem:$0x3FFE];
	_ =	sdelay $0x1  }
0x8a: {  	s1 =	srdreg.scid  }
0x8b: {  	s0 =	sand.u32 $0x1, s1  }
0x8c: {  	s16 =	sshll.u32 s0, $0xA;
	s2 =	sadd.s32 s3, s2  }
0x8d: {  	s2 =	sadd.s32 s2, s16  }
0x8e: {  	[smem:$0x3FC2] =	sst s2  }
0x8f: {  	_ = 	snop  }
0x90: {  	(tm) =	ssettm $0x1  }
0x91: {  	s17 =	sld [smem:$0x3FFB];
	_ =	sdelay $0x3  }
0x92: {  	_ =	strace s17  }
0x93: {  	s2 =	sld [smem:$0x3FFC];
	_ =	sdelay $0x3  }
0x94: {  	_ =	strace s2  }
0x95: {  	s2 =	sld [smem:$0x3FFD];
	_ =	sdelay $0x3  }
0x96: {  	_ =	strace s2  }
0x97: {  	_ =	strace $0x8FFFFFFF  }
0x98: {  	s18 =	sld [smem:$0x3FDB];
	_ =	sdelay $0x1  }
0x99: {  	s19 =	simm.s32 $_scs_section_size  }
0x9a: {  	s4 =	simm.s32 $_size__tile_overlayer_lowered;
	s5 =	simm.s32 $_tile_overlayer_lowered  }
0x9b: {  	s22 =	simm.s32 $0x1BFF;
	s21 =	sshll.u32 s5, $0x1;
	s2 =	sadd.s32 s19, s18  }
0x9c: {  	s6 =	simm.s32 $0x0;
	s20 =	sshll.u32 s4, $0x1;
	s4 =	sadd.s32 s21, s2  }
0x9d: {  	[timem:s6], [sflag:s22] =	dma.local [hbm:s4], s20  }
0x9e: {  	_ =	swait.ge [sflag:s22], s20  }
0x9f: {  	s3 =	ssub.s32 $0x0, s20;
	[sflag:s22] =	ssyncset.done $0x0  }
0xa0: {  	[sflag:s22] =	ssyncadd.s32 s3;
	_ =	sdelay $0x1  }
0xa1: {  	s23 =	simm.s32 $0x1B8B  }
0xa2: {  	_ =	swait.ge [sflag:s23], $0x1  }
0xa3: {  	[sflag:s23] =	ssyncset.done $0x0  }
0xa4: {  	s25 =	simm.s32 $0x1B8E;
	s24 =	sld [smem:$0x3FFE];
	[sflag:s23] =	ssyncadd.s32 $0xFFFFFFFF  }
0xa5: {  	s26 =	simm.s32 $execute0_lowered;
	[smem:$0x3FD2] =	sst s25  }
0xa6: {  	s4 =	sshll.u32 s26, $0x1;
	_ =	strace $0x80000046;
	[dreg:$0x1] =	wrdreg $0xFFFFFFFF  }
0xa7: {  	s28 =	simm.s32 $_size_execute0_lowered;
	s2 =	sadd.s32 s2, s4;
	[dreg:$0x0] =	wrdreg $0x0  }
0xa8: {  	s4 =	sshll.u32 s28, $0x1;
	[dreg:$0x2] =	wrdreg s2  }
0xa9: {  	[dreg:$0x3] =	wrdreg s4  }
0xaa: {  	[dreg:$0x4] =	wrdreg $0xC0  }
0xab: {  	_ =	task [dreg:s6], $0x5FFFF  }
0xac: {  	[dreg:$0x1] =	wrdreg $0xFFFFFFFF  }
0xad: {  	[dreg:$0x0] =	wrdreg $0x60  }
0xae: {  	[dreg:$0x2] =	wrdreg s24  }
0xaf: {  	[dreg:$0x3] =	wrdreg $0x9  }
0xb0: {  	_ =	task.clear_ibuf [dreg:s6], $0x4FFFF;
	_ =	strace $0x90000046  }
0xb1: {  	s29 =	simm.s32 $0x9;
	_ =	strace $0x80000048  }
0xb2: {  	_ =	swait.ge [sflag:s29], $0x1  }
0xb3: {  	[sflag:s29] =	ssyncadd.s32 $0xFFFFFFFF  }
0xb4: {  	_ =	strace $0x90000048  }
0xb5: {  	_ =	sfence  }
0xb6: {  	s30 =	sld [smem:$0x0];
	_ =	sdelay $0x2  }
0xb7: {  	s31 =	sshll.u32 s1, $0xD;
	s1 =	sshrl.u32 s1, $0x2  }
0xb8: {  	s3 =	sand.u32 $0x4000, s31;
	s1 =	sadd.s32 s1, s30  }
0xb9: {  	s0 =	sor.u32 s3, s0;
	s1 =	sshll.u32 s1, $0x11  }
0xba: {  	s0 =	sor.u32 s1, s0  }
0xbb: {  	s0 =	sadd.s32 $0x8F2B, s0  }
0xbc: {  	[sflag:s0] =	ssyncadd.remote.s32 $0x1  }
0xbd: {  	_ =	sfence.sel $0xFFFF  }
0xbe: {  	[dreg:$0x0] =	wrdreg $0xFFFFFFFF;
	(pc) =	sbr.abs _section_cstart, $3  }
0xbf: {  	[dreg:$0x1] =	wrdreg $0xFFFFFFFF  }
0xc0: {  	_ =	task.clear_ibuf [dreg:s6], $0x2FFFF;
	_ =	strace $0x9FFFFFFF  }
0xc1: {  	(tm) =	ssettm $0x7FFFFFFF  }
tec
execute0_lowered:
.L_overlay_start_1:
0x0: {  	(tag) =	ssettag $0x1  }
0x1: {  	s1 =	srdreg.scid  }
0x2: {  	s0 =	stileid.u32;
	s5 =	rddreg [dreg:$0x0]  }
0x3: {  	s2 =	simm.s32 $0x0;
	s8 =	simm.s32 $0x80;
	s9 =	simm.s32 $0x400  }
0x4: {  	s10 =	simm.s32 $0x0;
	s3 =	sand.u32 $0x1, s1;
	s29 =	sshll.u32 s0, $0x1  }
0x5: {  	s30 =	sshrl.u32 s0, $0x2;
	s1 =	rddreg [dreg:$0x1];
	s4 =	sor.u32 s3, s29  }
0x6: {  	[smem:$0x7FF] =	sst s2;
	s6 =	smul.u32 $0x14000, s30;
	s7 =	sshll.u32 s4, $0x7  }
0x7: {  	s3 =	ssub.s32 $0x2, s3;
	s4 =	smul.u32 $0x500, s4;
	s7 =	sand.u32 $0x380, s7  }
0x8: {  	_ =	strace $0x80000047;
	s31 =	sshrl.u32 s3, $0x1;
	s6 =	sor.u32 s6, s7  }
0x9: {  	s4 =	sadd.s32 s4, s5;
	s7 =	simm.s32 $0x2800;
	s6 =	sshrl.u32 s6, $0x3  }
0xa: {  	s5 =	sadd.s32 s6, s5;
	s6 =	ssub.s32 s3, s31;
	s3 =	sadd.s32 $0x2400, s4  }
0xb: {  	v0 =	vimm.f32 $0.0e+00;
	v1 =	vimm.f32 $1.000000000e+00;
	s4 =	sadd.s32 $0xC400, s5;
	s5 =	smax.u32 s6, $0x1;
	s6 =	simm.s32 $0x1  }
.LBB2_1:
0xc: {  	[tilespmem:s2], [sflag:$0x1] =	stream.linear.gather [hbm4b:s3+s2], $0x2800, $0x38;
	[tilespmem:$0x5000] =	vst v63  }
0xd: {  	_ =	swait.ge [sflag:s6], $0x2800  }
0xe: {  	[sflag:s6] =	ssyncset.done $0x0  }
0xf: {  	s11 =	simm.s32 $0x0;
	[sflag:s6] =	ssyncadd.s32 $0xFFFFD800  }
.LBB2_2:
0x10: {  	p0 =	sne.s32 s11, $0x9FC0  }
.Ltmp0:
0x11: {  	_ = 	snop;
	(pc) =	sbr.rel @p0 .LBB2_2-.Ltmp0, $3  }
0x12: {  	_ =	sdelay $0x1  }
0x13: {  	s12 =	sshra.s32 s11, $0x2  }
0x14: {  	s11 =	sadd.s32 $0x40, s11;
	[tilespmem:s12+$0x2800] =	vst v0  }
0x15: {  	s11 =	simm.s32 $0x1C0  }
.LBB2_4:
0x16: {  	s12 =	sshra.s32 s11, $0x2  }
0x17: {  	v2 =	vld [tilespmem:s12+$0xFFFFFF90];
	_ =	sdelay $0x7  }
0x18: {  	[tilespmem:v2+s7+$0x0] =	vst.idx.add.f32.msk $0xffff, v1  }
0x19: {  	v2 =	vld [tilespmem:s12+$0xFFFFFFA0];
	_ =	sdelay $0x7  }
0x1a: {  	[tilespmem:v2+s7+$0x0] =	vst.idx.add.f32.msk $0xffff, v1  }
0x1b: {  	v2 =	vld [tilespmem:s12+$0xFFFFFFB0];
	_ =	sdelay $0x7  }
0x1c: {  	[tilespmem:v2+s7+$0x0] =	vst.idx.add.f32.msk $0xffff, v1  }
0x1d: {  	v2 =	vld [tilespmem:s12+$0xFFFFFFC0];
	_ =	sdelay $0x7  }
0x1e: {  	[tilespmem:v2+s7+$0x0] =	vst.idx.add.f32.msk $0xffff, v1  }
0x1f: {  	v2 =	vld [tilespmem:s12+$0xFFFFFFD0];
	_ =	sdelay $0x7  }
0x20: {  	[tilespmem:v2+s7+$0x0] =	vst.idx.add.f32.msk $0xffff, v1  }
0x21: {  	v2 =	vld [tilespmem:s12+$0xFFFFFFE0];
	_ =	sdelay $0x7  }
0x22: {  	[tilespmem:v2+s7+$0x0] =	vst.idx.add.f32.msk $0xffff, v1  }
0x23: {  	v2 =	vld [tilespmem:s12+$0xFFFFFFF0];
	_ =	sdelay $0x7  }
0x24: {  	[tilespmem:v2+s7+$0x0] =	vst.idx.add.f32.msk $0xffff, v1  }
0x25: {  	v2 =	vld [tilespmem:s12+$0x0];
	_ =	sdelay $0x2  }
0x26: {  	p0 =	sne.s32 s11, $0x9FC0  }
.Ltmp1:
0x27: {  	_ = 	snop;
	(pc) =	sbr.rel @p0 .LBB2_4-.Ltmp1, $2  }
0x28: {  	_ =	sdelay $0x2  }
0x29: {  	s11 =	sadd.s32 $0x200, s11;
	[tilespmem:v2+s7+$0x0] =	vst.idx.add.f32.msk $0xffff, v1  }
0x2a: {  	s10 =	sadd.s32 $0x1, s10  }
0x2b: {  	p0 =	sne.s32 s10, s5  }
.Ltmp2:
0x2c: {  	_ = 	snop;
	(pc) =	sbr.rel @p0 .LBB2_1-.Ltmp2, $4  }
0x2d: {  	[hbm4b:s4+s8] =	stream.strided.scatter [tilespmem:s7], [sflag:$0x1], $0x2800, s9, s8, $0x38;
	[tilespmem:$0x5000] =	vst v63  }
0x2e: {  	_ =	swait.ge [sflag:s6], $0x2800  }
0x2f: {  	[sflag:s6] =	ssyncset.done $0x0  }
0x30: {  	[sflag:s6] =	ssyncadd.s32 $0xFFFFD800  }
0x31: {  	_ =	sfence.sel $0x180000  }
0x32: {  	[bflag:$0x0] =	sbarrier.arrive $0xFFFF  }
0x33: {  	p0 =	sne.s32 s0, $0x0;
	_ =	strace $0x90000047  }
0x34: {  	s0 =	sadd.s32 @!p0 $0x100000, s1;
	[bflag:$0x2] =	sbarrier.arrive $0xFFFF  }
0x35: {  	[sflag:s0] =	ssyncadd.tile.s32 @!p0 $0x1;
	_ =	shalt  }
.Lfunc_end2:
_tile_overlayer_lowered:
.L_overlay_start_2:
0x36: {  	(tag) =	ssettag $0x2  }
0x37: {  	s0 =	rddreg [dreg:$0x0];
	s2 =	stileid.u32  }
0x38: {  	s1 =	rddreg [dreg:$0x1];
	p0 =	sne.s32 s2, $0x0  }
0x39: {  	s3 =	rddreg [dreg:$0x2];
	[bflag:$0x3] =	sbarrier.arrive $0xFFFF;
	s2 =	simm.s32 @!p0 $0x1C01  }
0x3a: {  	[timem:s3], [sflag:s2] =	dma.local @!p0 [hbm:s0], s1  }
0x3b: {  	s0 =	simm.s32 @!p0 $0x1  }
0x3c: {  	_ =	swait.ge @!p0 [sflag:s0], s1  }
0x3d: {  	s1 =	ssub.s32 @!p0 $0x0, s1;
	[sflag:s0] =	ssyncset.done @!p0 $0x0  }
0x3e: {  	[sflag:s0] =	ssyncadd.s32 @!p0 s1  }
0x3f: {  	[bflag:$0x3] =	sbarrier.arrive $0xFFFF  }
0x40: {  	_ =	shalt  }

</sc_bundles>
